<compile_context>
chip_gen: v7x
topology: tpu7x:2x2x1
jax: 0.10.2.dev20260603
libtpu: 0.0.44.dev20260713+nightly
codegen_flags: <defaults>
</compile_context>

<pallas_src>
import functools

import jax
import jax.numpy as jnp
from jax import lax
from jax.experimental import pallas as pl
from jax.experimental.pallas import tpu as pltpu
from jax.experimental.pallas import tpu_sc as plsc

N = 10000
E = 320000
D = 128
NPAD = 10240
NC = 2
NS = 16
NW = NC * NS
BB = 128
NB = 78
EPW = NB * BB
XB = E // BB - NW * NB
XBASE = NW * EPW
ZPT = NPAD // NS
RB = 2048
FB = 2000
DEG_SLOTS = 16
DEG_WIN = 8

_mesh = plsc.VectorSubcoreMesh(core_axis_name="c", subcore_axis_name="s")


@functools.partial(
    pl.kernel,
    out_type=jax.ShapeDtypeStruct((NC, NPAD), jnp.float32),
    mesh=_mesh,
    scratch_types=[
        pltpu.VMEM((2, EPW), jnp.int32),
        pltpu.VMEM((DEG_SLOTS, BB), jnp.int32),
        pltpu.VMEM((2, BB), jnp.int32),
        pltpu.VMEM((BB,), jnp.float32),
        pltpu.VMEM((ZPT,), jnp.float32),
        pltpu.VMEM_SHARED((NPAD,), jnp.float32),
        pltpu.SemaphoreType.DMA,
        pltpu.SemaphoreType.DMA,
    ],
)
def _deg_kernel(ei_hbm, deg_out, idv, slots, ixt, ones_v, zb_v, sdeg,
                sem_p, sem_s):
    cid = lax.axis_index("c")
    sid = lax.axis_index("s")
    wid = sid * NC + cid
    base = wid * EPW

    pltpu.async_copy(ei_hbm.at[:, pl.ds(base, EPW)], idv, sem_p)

    def fill(i, _):
        ones_v[pl.ds(i * 16, 16)] = jnp.full((16,), 1.0, jnp.float32)
        return 0
    lax.fori_loop(0, BB // 16, fill, 0)

    def fill0(i, _):
        zb_v[pl.ds(i * 16, 16)] = jnp.zeros((16,), jnp.float32)
        return 0
    lax.fori_loop(0, ZPT // 16, fill0, 0)

    pltpu.sync_copy(zb_v, sdeg.at[pl.ds(sid * ZPT, ZPT)])
    pltpu.make_async_copy(ei_hbm.at[:, pl.ds(base, EPW)], idv, sem_p).wait()
    plsc.subcore_barrier()

    def scatter_wait():
        pltpu.make_async_copy(ones_v, sdeg.at[slots.at[0]], sem_s).wait()

    def step(i, _):
        b = lax.rem(i, DEG_SLOTS)
        for j in range(BB // 16):
            slots[b, pl.ds(j * 16, 16)] = idv[1, pl.ds(i * BB + j * 16, 16)]
        pltpu.async_copy(ones_v, sdeg.at[slots.at[b]], sem_s, add=True)

        @pl.when(i >= DEG_WIN)
        def _():
            scatter_wait()
        return 0
    lax.fori_loop(0, NB, step, 0)
    lax.fori_loop(0, DEG_WIN, lambda i, _: (scatter_wait(), 0)[1], 0)

    @pl.when(wid < XB)
    def _():
        pltpu.sync_copy(ei_hbm.at[:, pl.ds(XBASE + wid * BB, BB)], ixt)
        pltpu.async_copy(ones_v, sdeg.at[ixt.at[1]], sem_s, add=True)
        pltpu.make_async_copy(ones_v, sdeg.at[ixt.at[1]], sem_s).wait()

    plsc.subcore_barrier()
    pltpu.sync_copy(sdeg.at[pl.ds(sid * ZPT, ZPT)],
                    deg_out.at[cid, pl.ds(sid * ZPT, ZPT)])


@functools.partial(
    pl.kernel,
    out_type=jax.ShapeDtypeStruct((NC, NPAD, D), jnp.float32),
    mesh=_mesh,
    scratch_types=[
        pltpu.VMEM((8, BB), jnp.int32),
        pltpu.VMEM((2, BB, D), jnp.float32),
        pltpu.VMEM((2, BB), jnp.int32),
        pltpu.VMEM_SHARED((NPAD, D), jnp.float32),
        pltpu.SemaphoreType.DMA,
        pltpu.SemaphoreType.DMA,
        pltpu.SemaphoreType.DMA,
    ],
)
def _prop_kernel(g_hbm, ei_hbm, parts_out, i2, rows, ixt, sacc,
                 sem_i, sem_g, sem_s):
    cid = lax.axis_index("c")
    sid = lax.axis_index("s")
    wid = sid * NC + cid
    base = wid * EPW

    def i2_start(i):
        s = lax.rem(i, 4)
        pltpu.async_copy(ei_hbm.at[:, pl.ds(base + i * BB, BB)],
                         i2.at[pl.ds(2 * s, 2)], sem_i)

    def i2_wait():
        pltpu.make_async_copy(ei_hbm.at[:, pl.ds(base, BB)],
                              i2.at[pl.ds(0, 2)], sem_i).wait()

    def gather_start(i, b):
        pltpu.async_copy(g_hbm.at[i2.at[2 * lax.rem(i, 4)]], rows.at[b],
                         sem_g)

    def gather_wait():
        pltpu.make_async_copy(g_hbm.at[i2.at[0]], rows.at[0], sem_g).wait()

    def scatter_start(i, b):
        pltpu.async_copy(rows.at[b], sacc.at[i2.at[2 * lax.rem(i, 4) + 1]],
                         sem_s, add=True)

    def scatter_wait():
        pltpu.make_async_copy(rows.at[0], sacc.at[i2.at[1]], sem_s).wait()

    i2_start(0)
    i2_start(1)

    zbase = sid * ZPT

    @pl.when(cid == 0)
    def _():
        for off in (0, 128, 256, 384, 512):
            pltpu.async_copy(g_hbm.at[pl.ds(zbase + off, BB)],
                             sacc.at[pl.ds(zbase + off, BB)], sem_g)
        for off in (0, 128, 256, 384, 512):
            pltpu.make_async_copy(g_hbm.at[pl.ds(zbase + off, BB)],
                                  sacc.at[pl.ds(zbase + off, BB)],
                                  sem_g).wait()

    @pl.when(cid != 0)
    def _():
        def fill0(i, _):
            rows[1, i // 8, pl.ds((i % 8) * 16, 16)] = jnp.zeros((16,),
                                                                 jnp.float32)
            return 0
        lax.fori_loop(0, BB * (D // 16), fill0, 0)
        for off in (0, 128, 256, 384, 512):
            pltpu.async_copy(rows.at[1], sacc.at[pl.ds(zbase + off, BB)],
                             sem_g)
        for off in (0, 128, 256, 384, 512):
            pltpu.make_async_copy(rows.at[1],
                                  sacc.at[pl.ds(zbase + off, BB)],
                                  sem_g).wait()
    plsc.subcore_barrier()

    i2_wait()
    gather_start(0, 0)
    gather_wait()
    scatter_start(0, 0)
    i2_start(2)
    i2_wait()
    gather_start(1, 1)

    def step(i, _):
        b = lax.rem(i, 2)
        gather_wait()
        scatter_start(i, b)
        scatter_wait()
        i2_start(i + 2)
        i2_wait()
        gather_start(i + 1, 1 - b)
        return 0
    lax.fori_loop(1, NB - 2, step, 0)

    gather_wait()
    scatter_start(NB - 2, lax.rem(NB - 2, 2))
    scatter_wait()
    i2_wait()
    gather_start(NB - 1, lax.rem(NB - 1, 2))
    gather_wait()
    scatter_start(NB - 1, lax.rem(NB - 1, 2))
    scatter_wait()
    scatter_wait()

    @pl.when(wid < XB)
    def _():
        pltpu.sync_copy(ei_hbm.at[:, pl.ds(XBASE + wid * BB, BB)], ixt)
        pltpu.async_copy(g_hbm.at[ixt.at[0]], rows.at[0], sem_g)
        pltpu.make_async_copy(g_hbm.at[ixt.at[0]], rows.at[0], sem_g).wait()
        pltpu.async_copy(rows.at[0], sacc.at[ixt.at[1]], sem_s, add=True)
        pltpu.make_async_copy(rows.at[0], sacc.at[ixt.at[1]], sem_s).wait()

    plsc.subcore_barrier()
    pltpu.sync_copy(sacc.at[pl.ds(sid * ZPT, ZPT)],
                    parts_out.at[cid, pl.ds(sid * ZPT, ZPT)])


def _transform(x_pad, W, degs):
    def body(x_ref, w_ref, deg_ref, g_ref):
        deg = deg_ref[0, :] + deg_ref[1, :] + 1.0
        dis = lax.rsqrt(deg)
        h = jnp.dot(x_ref[...], w_ref[...], preferred_element_type=jnp.float32)
        g_ref[...] = h * dis[:, None]

    return pl.pallas_call(
        body,
        grid=(NPAD // RB,),
        in_specs=[
            pl.BlockSpec((RB, D), lambda i: (i, 0)),
            pl.BlockSpec((D, D), lambda i: (0, 0)),
            pl.BlockSpec((NC, RB), lambda i: (0, i)),
        ],
        out_specs=pl.BlockSpec((RB, D), lambda i: (i, 0)),
        out_shape=jax.ShapeDtypeStruct((NPAD, D), jnp.float32),
    )(x_pad, W, degs)


def _finalize(parts, degs3, b):
    def body(p_ref, deg_ref, b_ref, o_ref):
        deg = deg_ref[0] + deg_ref[1] + 1.0
        dis = lax.rsqrt(deg)
        s = p_ref[0] + p_ref[1]
        o_ref[...] = jnp.tanh(s * dis + b_ref[...][None, :])

    return pl.pallas_call(
        body,
        grid=(N // FB,),
        in_specs=[
            pl.BlockSpec((NC, FB, D), lambda i: (0, i, 0)),
            pl.BlockSpec((NC, FB, 1), lambda i: (0, i, 0)),
            pl.BlockSpec((D,), lambda i: (0,)),
        ],
        out_specs=pl.BlockSpec((FB, D), lambda i: (i, 0)),
        out_shape=jax.ShapeDtypeStruct((N, D), jnp.float32),
    )(parts, degs3, b)


def kernel(x, edge_index, W, b):
    ei = edge_index.astype(jnp.int32)
    x_pad = jnp.pad(x, ((0, NPAD - N), (0, 0)))

    degs = _deg_kernel(ei)
    g = _transform(x_pad, W, degs)
    parts = _prop_kernel(g, ei)
    return _finalize(parts, degs[:, :N, None], b)

# --- scband reference (transcript-rebuilt; emitter-appended) ---
"""Pipeline reference for scband-s-gcn-51032801411524 (READ-ONLY COPY).

The authoritative reference and input builder live on the scoring server;
editing this copy changes nothing except your own understanding.
"""

import jax, jax.numpy as jnp
import numpy as np

N_NODES = 10000
N_EDGES = 320000
IN_DIM = 128
OUT_DIM = 128


def setup_inputs(seed: int = 0) -> dict:
    key = jax.random.key(seed)
    k1, k2, k3 = jax.random.split(key, 3)
    x = jax.random.normal(k1, (N_NODES, IN_DIM), dtype=jnp.float32)
    edge_index = jax.random.randint(k2, (2, N_EDGES), 0, N_NODES, dtype=jnp.int64)
    # GCNConv linear weight (glorot) and bias, matching torch_geometric GCNConv(in_dim, out_dim)
    limit = float(np.sqrt(6.0 / (IN_DIM + OUT_DIM)))
    W = jax.random.uniform(k3, (IN_DIM, OUT_DIM), dtype=jnp.float32, minval=-limit, maxval=limit)
    b = jnp.zeros((OUT_DIM,), dtype=jnp.float32)
    return {"x": x, "edge_index": edge_index, "W": W, "b": b}


def reference(x, edge_index, W, b):
    # S_GCN.forward: tanh(GCNConv(x, edge_index))
    # GCNConv: add self-loops, symmetric normalization D^{-1/2}(A+I)D^{-1/2} X W + b
    N = x.shape[0]
    src = edge_index[0]
    dst = edge_index[1]
    loop = jnp.arange(N, dtype=src.dtype)
    src = jnp.concatenate([src, loop], axis=0)
    dst = jnp.concatenate([dst, loop], axis=0)
    # linear transform first (PyG applies lin before propagate)
    h = x @ W
    # degree computed on dst (col) with self-loops, edge weight 1
    deg = jnp.zeros((N,), dtype=h.dtype).at[dst].add(1.0)
    deg_inv_sqrt = jnp.where(deg > 0, jax.lax.rsqrt(jnp.maximum(deg, 1e-12)), 0.0)
    norm = deg_inv_sqrt[src] * deg_inv_sqrt[dst]
    msg = h[src] * norm[:, None]
    out = jnp.zeros((N, h.shape[1]), dtype=h.dtype).at[dst].add(msg)
    out = out + b
    return jnp.tanh(out)

if __name__ == "__main__":
    import jax
    _d = setup_inputs()
    print(jax.jit(kernel)(*tuple(_d.values())))

</pallas_src>

<mosaic_0001>
#map = affine_map<(d0, d1) -> (0, 0)>
module attributes {stable_mosaic.version = 14 : i64} {
  func.func @_deg_kernel(%arg0: i32, %arg1: i32, %arg2: memref<2x320000xi32, #tpu.memory_space<hbm>>, %arg3: memref<2x10240xf32, #tpu.memory_space<hbm>>, %arg4: memref<2x9984xi32, #tpu.memory_space<vmem>>, %arg5: memref<16x128xi32, #tpu.memory_space<vmem>>, %arg6: memref<2x128xi32, #tpu.memory_space<vmem>>, %arg7: memref<128xf32, #tpu.memory_space<vmem>>, %arg8: memref<640xf32, #tpu.memory_space<vmem>>, %arg9: memref<10240xf32, #tpu.memory_space<vmem_shared>>, %arg10: memref<!tpu.dma_semaphore, #tpu.memory_space<semaphore_mem>>, %arg11: memref<!tpu.dma_semaphore, #tpu.memory_space<semaphore_mem>>) attributes {dimension_semantics = [#tpu.dimension_semantics<core_parallel>, #tpu.dimension_semantics<subcore_parallel>], iteration_bounds = array<i64: 2, 16>, scalar_prefetch = 0 : i64, scratch_operands = 8 : i64, tpu.core_type = #tpu.core_type<sc_vector_subcore>, window_params = [{transform_indices = #map}, {transform_indices = #map}]} {
    %mul3A = arith.constant 2 : i32
    %mul3A_0 = arith.muli %arg1, %mul3A : i32
    %add3A = arith.addi %mul3A_0, %arg0 : i32
    %mul3A_1 = arith.constant 9984 : i32
    %mul3A_2 = arith.muli %add3A, %mul3A_1 : i32
    %dma_start3A = arith.constant 0 : i32
    %dma_start3A_3 = tpu.memref_slice %arg2[%dma_start3A, %mul3A_2] : memref<2x320000xi32, #tpu.memory_space<hbm>> -> memref<2x9984xi32, #tpu.memory_space<hbm>>
    %dma_start3A_4 = arith.constant 0 : i32
    %dma_start3A_5 = tpu.memref_slice %arg2[%dma_start3A_4, %mul3A_2] : memref<2x320000xi32, #tpu.memory_space<hbm>> -> memref<2x9984xi32, #tpu.memory_space<hbm>>
    tpu.enqueue_dma source(%dma_start3A_5 : memref<2x9984xi32, #tpu.memory_space<hbm>>) target(%arg4 : memref<2x9984xi32, #tpu.memory_space<vmem>>) target_semaphore(%arg10 : memref<!tpu.dma_semaphore, #tpu.memory_space<semaphore_mem>>)
    %scan3A = arith.constant 0 : i32
    %scan3A_6 = arith.constant 0 : i32
    %scan3A_7 = arith.constant 8 : i32
    %scan3A_8 = arith.addi %scan3A_6, %scan3A_7 : i32
    %scan3A_9 = arith.constant 1 : i32
    %scan3A_10 = scf.for %scan3A_45 = %scan3A_6 to %scan3A_8 step %scan3A_9 iter_args(%scan3A_46 = %scan3A) -> (i32)  : i32 {
      %broadcast_in_dim3A = arith.constant 1.000000e+00 : f32
      %broadcast_in_dim3A_47 = vector.broadcast %broadcast_in_dim3A : f32 to vector<16xf32>
      %mul3A_48 = arith.constant 16 : i32
      %mul3A_49 = arith.muli %scan3A_45, %mul3A_48 : i32
      %swap3A = arith.index_cast %mul3A_49 : i32 to index
      %swap3A_50 = tpu.vector_load %arg7[%swap3A] {strides = array<i32>} : memref<128xf32, #tpu.memory_space<vmem>>, vector<16xf32>,
      %swap3A_51 = vector.shape_cast %swap3A_50 : vector<16xf32> to vector<16xf32>
      %swap3A_52 = vector.shape_cast %broadcast_in_dim3A_47 : vector<16xf32> to vector<16xf32>
      tpu.vector_store %arg7[%swap3A], %swap3A_52 {strides = array<i32>} : memref<128xf32, #tpu.memory_space<vmem>>, vector<16xf32>,
      %scan3A_53 = arith.constant 0 : i32
      scf.yield %scan3A_53 : i32
    }
    %scan3A_11 = arith.constant 8 : i32
    %scan3A_12 = arith.constant 0 : i32
    %scan3A_13 = arith.constant 0 : i32
    %scan3A_14 = arith.constant 40 : i32
    %scan3A_15 = arith.addi %scan3A_13, %scan3A_14 : i32
    %scan3A_16 = arith.constant 1 : i32
    %scan3A_17 = scf.for %scan3A_45 = %scan3A_13 to %scan3A_15 step %scan3A_16 iter_args(%scan3A_46 = %scan3A_12) -> (i32)  : i32 {
      %broadcast_in_dim3A = arith.constant 0.000000e+00 : f32
      %broadcast_in_dim3A_47 = vector.broadcast %broadcast_in_dim3A : f32 to vector<16xf32>
      %mul3A_48 = arith.constant 16 : i32
      %mul3A_49 = arith.muli %scan3A_45, %mul3A_48 : i32
      %swap3A = arith.index_cast %mul3A_49 : i32 to index
      %swap3A_50 = tpu.vector_load %arg8[%swap3A] {strides = array<i32>} : memref<640xf32, #tpu.memory_space<vmem>>, vector<16xf32>,
      %swap3A_51 = vector.shape_cast %swap3A_50 : vector<16xf32> to vector<16xf32>
      %swap3A_52 = vector.shape_cast %broadcast_in_dim3A_47 : vector<16xf32> to vector<16xf32>
      tpu.vector_store %arg8[%swap3A], %swap3A_52 {strides = array<i32>} : memref<640xf32, #tpu.memory_space<vmem>>, vector<16xf32>,
      %scan3A_53 = arith.constant 0 : i32
      scf.yield %scan3A_53 : i32
    }
    %scan3A_18 = arith.constant 40 : i32
    %mul3A_19 = arith.constant 640 : i32
    %mul3A_20 = arith.muli %arg1, %mul3A_19 : i32
    "tpu.region"() ({
      %run_scoped3A = tpu.sem_alloc : memref<!tpu.dma_semaphore, #tpu.memory_space<semaphore_mem>>
      %dma_start3A_45 = tpu.memref_slice %arg9[%mul3A_20] : memref<10240xf32, #tpu.memory_space<vmem_shared>> -> memref<640xf32, #tpu.memory_space<vmem_shared>>
      %dma_start3A_46 = tpu.memref_slice %arg9[%mul3A_20] : memref<10240xf32, #tpu.memory_space<vmem_shared>> -> memref<640xf32, #tpu.memory_space<vmem_shared>>
      tpu.enqueue_dma source(%arg8 : memref<640xf32, #tpu.memory_space<vmem>>) target(%dma_start3A_46 : memref<640xf32, #tpu.memory_space<vmem_shared>>) target_semaphore(%run_scoped3A : memref<!tpu.dma_semaphore, #tpu.memory_space<semaphore_mem>>)
      %dma_wait3A_47 = tpu.memref_slice %arg9[%mul3A_20] : memref<10240xf32, #tpu.memory_space<vmem_shared>> -> memref<640xf32, #tpu.memory_space<vmem_shared>>
      %dma_wait3A_48 = tpu.memref_slice %arg9[%mul3A_20] : memref<10240xf32, #tpu.memory_space<vmem_shared>> -> memref<640xf32, #tpu.memory_space<vmem_shared>>
      tpu.wait_dma2 semaphore(%run_scoped3A : memref<!tpu.dma_semaphore, #tpu.memory_space<semaphore_mem>>) src(%arg8 : memref<640xf32, #tpu.memory_space<vmem>>) dst(%dma_wait3A_48 : memref<640xf32, #tpu.memory_space<vmem_shared>>)
      tpu.yield
    }) : () -> ()
    %dma_wait3A = arith.constant 0 : i32
    %dma_wait3A_21 = tpu.memref_slice %arg2[%dma_wait3A, %mul3A_2] : memref<2x320000xi32, #tpu.memory_space<hbm>> -> memref<2x9984xi32, #tpu.memory_space<hbm>>
    %dma_wait3A_22 = arith.constant 0 : i32
    %dma_wait3A_23 = tpu.memref_slice %arg2[%dma_wait3A_22, %mul3A_2] : memref<2x320000xi32, #tpu.memory_space<hbm>> -> memref<2x9984xi32, #tpu.memory_space<hbm>>
    tpu.wait_dma2 semaphore(%arg10 : memref<!tpu.dma_semaphore, #tpu.memory_space<semaphore_mem>>) src(%dma_wait3A_23 : memref<2x9984xi32, #tpu.memory_space<hbm>>) dst(%arg4 : memref<2x9984xi32, #tpu.memory_space<vmem>>)
    %barrier3A = arith.constant 0 : index
    tpu.barrier barrier_id(%barrier3A)
    %scan3A_24 = arith.constant 0 : i32
    %scan3A_25 = arith.constant 0 : i32
    %scan3A_26 = arith.constant 78 : i32
    %scan3A_27 = arith.addi %scan3A_25, %scan3A_26 : i32
    %scan3A_28 = arith.constant 1 : i32
    %scan3A_29 = scf.for %scan3A_45 = %scan3A_25 to %scan3A_27 step %scan3A_28 iter_args(%scan3A_46 = %scan3A_24) -> (i32)  : i32 {
      %rem3A = arith.constant 16 : i32
      %rem3A_47 = arith.remsi %scan3A_45, %rem3A : i32
      %mul3A_48 = arith.constant 128 : i32
      %mul3A_49 = arith.muli %scan3A_45, %mul3A_48 : i32
      %add3A_50 = arith.constant 0 : i32
      %add3A_51 = arith.addi %mul3A_49, %add3A_50 : i32
      %get3A = arith.constant 1 : i32
      %get3A_52 = arith.index_cast %get3A : i32 to index
      %get3A_53 = arith.index_cast %add3A_51 : i32 to index
      %get3A_54 = tpu.vector_load %arg4[%get3A_52, %get3A_53] {strides = array<i32>} : memref<2x9984xi32, #tpu.memory_space<vmem>>, vector<1x16xi32>,
      %get3A_55 = vector.shape_cast %get3A_54 : vector<1x16xi32> to vector<16xi32>
      %swap3A = arith.index_cast %rem3A_47 : i32 to index
      %swap3A_56 = arith.constant 0 : index
      %swap3A_57 = tpu.vector_load %arg5[%swap3A, %swap3A_56] {strides = array<i32>} : memref<16x128xi32, #tpu.memory_space<vmem>>, vector<1x16xi32>,
      %swap3A_58 = vector.shape_cast %swap3A_57 : vector<1x16xi32> to vector<16xi32>
      %swap3A_59 = vector.shape_cast %get3A_55 : vector<16xi32> to vector<1x16xi32>
      tpu.vector_store %arg5[%swap3A, %swap3A_56], %swap3A_59 {strides = array<i32>} : memref<16x128xi32, #tpu.memory_space<vmem>>, vector<1x16xi32>,
      %mul3A_60 = arith.constant 128 : i32
      %mul3A_61 = arith.muli %scan3A_45, %mul3A_60 : i32
      %add3A_62 = arith.constant 16 : i32
      %add3A_63 = arith.addi %mul3A_61, %add3A_62 : i32
      %get3A_64 = arith.constant 1 : i32
      %get3A_65 = arith.index_cast %get3A_64 : i32 to index
      %get3A_66 = arith.index_cast %add3A_63 : i32 to index
      %get3A_67 = tpu.vector_load %arg4[%get3A_65, %get3A_66] {strides = array<i32>} : memref<2x9984xi32, #tpu.memory_space<vmem>>, vector<1x16xi32>,
      %get3A_68 = vector.shape_cast %get3A_67 : vector<1x16xi32> to vector<16xi32>
      %swap3A_69 = arith.index_cast %rem3A_47 : i32 to index
      %swap3A_70 = arith.constant 16 : index
      %swap3A_71 = tpu.vector_load %arg5[%swap3A_69, %swap3A_70] {strides = array<i32>} : memref<16x128xi32, #tpu.memory_space<vmem>>, vector<1x16xi32>,
      %swap3A_72 = vector.shape_cast %swap3A_71 : vector<1x16xi32> to vector<16xi32>
      %swap3A_73 = vector.shape_cast %get3A_68 : vector<16xi32> to vector<1x16xi32>
      tpu.vector_store %arg5[%swap3A_69, %swap3A_70], %swap3A_73 {strides = array<i32>} : memref<16x128xi32, #tpu.memory_space<vmem>>, vector<1x16xi32>,
      %mul3A_74 = arith.constant 128 : i32
      %mul3A_75 = arith.muli %scan3A_45, %mul3A_74 : i32
      %add3A_76 = arith.constant 32 : i32
      %add3A_77 = arith.addi %mul3A_75, %add3A_76 : i32
      %get3A_78 = arith.constant 1 : i32
      %get3A_79 = arith.index_cast %get3A_78 : i32 to index
      %get3A_80 = arith.index_cast %add3A_77 : i32 to index
      %get3A_81 = tpu.vector_load %arg4[%get3A_79, %get3A_80] {strides = array<i32>} : memref<2x9984xi32, #tpu.memory_space<vmem>>, vector<1x16xi32>,
      %get3A_82 = vector.shape_cast %get3A_81 : vector<1x16xi32> to vector<16xi32>
      %swap3A_83 = arith.index_cast %rem3A_47 : i32 to index
      %swap3A_84 = arith.constant 32 : index
      %swap3A_85 = tpu.vector_load %arg5[%swap3A_83, %swap3A_84] {strides = array<i32>} : memref<16x128xi32, #tpu.memory_space<vmem>>, vector<1x16xi32>,
      %swap3A_86 = vector.shape_cast %swap3A_85 : vector<1x16xi32> to vector<16xi32>
      %swap3A_87 = vector.shape_cast %get3A_82 : vector<16xi32> to vector<1x16xi32>
      tpu.vector_store %arg5[%swap3A_83, %swap3A_84], %swap3A_87 {strides = array<i32>} : memref<16x128xi32, #tpu.memory_space<vmem>>, vector<1x16xi32>,
      %mul3A_88 = arith.constant 128 : i32
      %mul3A_89 = arith.muli %scan3A_45, %mul3A_88 : i32
      %add3A_90 = arith.constant 48 : i32
      %add3A_91 = arith.addi %mul3A_89, %add3A_90 : i32
      %get3A_92 = arith.constant 1 : i32
      %get3A_93 = arith.index_cast %get3A_92 : i32 to index
      %get3A_94 = arith.index_cast %add3A_91 : i32 to index
      %get3A_95 = tpu.vector_load %arg4[%get3A_93, %get3A_94] {strides = array<i32>} : memref<2x9984xi32, #tpu.memory_space<vmem>>, vector<1x16xi32>,
      %get3A_96 = vector.shape_cast %get3A_95 : vector<1x16xi32> to vector<16xi32>
      %swap3A_97 = arith.index_cast %rem3A_47 : i32 to index
      %swap3A_98 = arith.constant 48 : index
      %swap3A_99 = tpu.vector_load %arg5[%swap3A_97, %swap3A_98] {strides = array<i32>} : memref<16x128xi32, #tpu.memory_space<vmem>>, vector<1x16xi32>,
      %swap3A_100 = vector.shape_cast %swap3A_99 : vector<1x16xi32> to vector<16xi32>
      %swap3A_101 = vector.shape_cast %get3A_96 : vector<16xi32> to vector<1x16xi32>
      tpu.vector_store %arg5[%swap3A_97, %swap3A_98], %swap3A_101 {strides = array<i32>} : memref<16x128xi32, #tpu.memory_space<vmem>>, vector<1x16xi32>,
      %mul3A_102 = arith.constant 128 : i32
      %mul3A_103 = arith.muli %scan3A_45, %mul3A_102 : i32
      %add3A_104 = arith.constant 64 : i32
      %add3A_105 = arith.addi %mul3A_103, %add3A_104 : i32
      %get3A_106 = arith.constant 1 : i32
      %get3A_107 = arith.index_cast %get3A_106 : i32 to index
      %get3A_108 = arith.index_cast %add3A_105 : i32 to index
      %get3A_109 = tpu.vector_load %arg4[%get3A_107, %get3A_108] {strides = array<i32>} : memref<2x9984xi32, #tpu.memory_space<vmem>>, vector<1x16xi32>,
      %get3A_110 = vector.shape_cast %get3A_109 : vector<1x16xi32> to vector<16xi32>
      %swap3A_111 = arith.index_cast %rem3A_47 : i32 to index
      %swap3A_112 = arith.constant 64 : index
      %swap3A_113 = tpu.vector_load %arg5[%swap3A_111, %swap3A_112] {strides = array<i32>} : memref<16x128xi32, #tpu.memory_space<vmem>>, vector<1x16xi32>,
      %swap3A_114 = vector.shape_cast %swap3A_113 : vector<1x16xi32> to vector<16xi32>
      %swap3A_115 = vector.shape_cast %get3A_110 : vector<16xi32> to vector<1x16xi32>
      tpu.vector_store %arg5[%swap3A_111, %swap3A_112], %swap3A_115 {strides = array<i32>} : memref<16x128xi32, #tpu.memory_space<vmem>>, vector<1x16xi32>,
      %mul3A_116 = arith.constant 128 : i32
      %mul3A_117 = arith.muli %scan3A_45, %mul3A_116 : i32
      %add3A_118 = arith.constant 80 : i32
      %add3A_119 = arith.addi %mul3A_117, %add3A_118 : i32
      %get3A_120 = arith.constant 1 : i32
      %get3A_121 = arith.index_cast %get3A_120 : i32 to index
      %get3A_122 = arith.index_cast %add3A_119 : i32 to index
      %get3A_123 = tpu.vector_load %arg4[%get3A_121, %get3A_122] {strides = array<i32>} : memref<2x9984xi32, #tpu.memory_space<vmem>>, vector<1x16xi32>,
      %get3A_124 = vector.shape_cast %get3A_123 : vector<1x16xi32> to vector<16xi32>
      %swap3A_125 = arith.index_cast %rem3A_47 : i32 to index
      %swap3A_126 = arith.constant 80 : index
      %swap3A_127 = tpu.vector_load %arg5[%swap3A_125, %swap3A_126] {strides = array<i32>} : memref<16x128xi32, #tpu.memory_space<vmem>>, vector<1x16xi32>,
      %swap3A_128 = vector.shape_cast %swap3A_127 : vector<1x16xi32> to vector<16xi32>
      %swap3A_129 = vector.shape_cast %get3A_124 : vector<16xi32> to vector<1x16xi32>
      tpu.vector_store %arg5[%swap3A_125, %swap3A_126], %swap3A_129 {strides = array<i32>} : memref<16x128xi32, #tpu.memory_space<vmem>>, vector<1x16xi32>,
      %mul3A_130 = arith.constant 128 : i32
      %mul3A_131 = arith.muli %scan3A_45, %mul3A_130 : i32
      %add3A_132 = arith.constant 96 : i32
      %add3A_133 = arith.addi %mul3A_131, %add3A_132 : i32
      %get3A_134 = arith.constant 1 : i32
      %get3A_135 = arith.index_cast %get3A_134 : i32 to index
      %get3A_136 = arith.index_cast %add3A_133 : i32 to index
      %get3A_137 = tpu.vector_load %arg4[%get3A_135, %get3A_136] {strides = array<i32>} : memref<2x9984xi32, #tpu.memory_space<vmem>>, vector<1x16xi32>,
      %get3A_138 = vector.shape_cast %get3A_137 : vector<1x16xi32> to vector<16xi32>
      %swap3A_139 = arith.index_cast %rem3A_47 : i32 to index
      %swap3A_140 = arith.constant 96 : index
      %swap3A_141 = tpu.vector_load %arg5[%swap3A_139, %swap3A_140] {strides = array<i32>} : memref<16x128xi32, #tpu.memory_space<vmem>>, vector<1x16xi32>,
      %swap3A_142 = vector.shape_cast %swap3A_141 : vector<1x16xi32> to vector<16xi32>
      %swap3A_143 = vector.shape_cast %get3A_138 : vector<16xi32> to vector<1x16xi32>
      tpu.vector_store %arg5[%swap3A_139, %swap3A_140], %swap3A_143 {strides = array<i32>} : memref<16x128xi32, #tpu.memory_space<vmem>>, vector<1x16xi32>,
      %mul3A_144 = arith.constant 128 : i32
      %mul3A_145 = arith.muli %scan3A_45, %mul3A_144 : i32
      %add3A_146 = arith.constant 112 : i32
      %add3A_147 = arith.addi %mul3A_145, %add3A_146 : i32
      %get3A_148 = arith.constant 1 : i32
      %get3A_149 = arith.index_cast %get3A_148 : i32 to index
      %get3A_150 = arith.index_cast %add3A_147 : i32 to index
      %get3A_151 = tpu.vector_load %arg4[%get3A_149, %get3A_150] {strides = array<i32>} : memref<2x9984xi32, #tpu.memory_space<vmem>>, vector<1x16xi32>,
      %get3A_152 = vector.shape_cast %get3A_151 : vector<1x16xi32> to vector<16xi32>
      %swap3A_153 = arith.index_cast %rem3A_47 : i32 to index
      %swap3A_154 = arith.constant 112 : index
      %swap3A_155 = tpu.vector_load %arg5[%swap3A_153, %swap3A_154] {strides = array<i32>} : memref<16x128xi32, #tpu.memory_space<vmem>>, vector<1x16xi32>,
      %swap3A_156 = vector.shape_cast %swap3A_155 : vector<1x16xi32> to vector<16xi32>
      %swap3A_157 = vector.shape_cast %get3A_152 : vector<16xi32> to vector<1x16xi32>
      tpu.vector_store %arg5[%swap3A_153, %swap3A_154], %swap3A_157 {strides = array<i32>} : memref<16x128xi32, #tpu.memory_space<vmem>>, vector<1x16xi32>,
      %dma_start3A_158 = arith.constant 0 : i32
      %dma_start3A_159 = tpu.memref_slice %arg5[%rem3A_47, %dma_start3A_158] : memref<16x128xi32, #tpu.memory_space<vmem>> -> memref<1x128xi32, #tpu.memory_space<vmem>>
      %dma_start3A_160 = tpu.memref_squeeze %dma_start3A_159 : memref<1x128xi32, #tpu.memory_space<vmem>> -> memref<128xi32, #tpu.memory_space<vmem>>
      %dma_start3A_161 = arith.constant 0 : i32
      %dma_start3A_162 = tpu.memref_slice %arg9[%dma_start3A_161] : memref<10240xf32, #tpu.memory_space<vmem_shared>> -> memref<10240xf32, #tpu.memory_space<vmem_shared>>
      tpu.enqueue_indirect_dma source(%arg7 : memref<128xf32, #tpu.memory_space<vmem>>) target(%dma_start3A_162 : memref<10240xf32, #tpu.memory_space<vmem_shared>>) offsets(%dma_start3A_160 : memref<128xi32, #tpu.memory_space<vmem>>) semaphore(%arg11 : memref<!tpu.dma_semaphore, #tpu.memory_space<semaphore_mem>>) {add = true}
      %ge3A = arith.constant 8 : i32
      %ge3A_163 = arith.cmpi sge, %scan3A_45, %ge3A : i32
      %convert_element_type3A_164 = arith.extui %ge3A_163 : i1 to i32
      %cond3A_165 = arith.constant 0 : i32
      %cond3A_166 = arith.cmpi ne, %convert_element_type3A_164, %cond3A_165 : i32
      scf.if %cond3A_166 {
        %dma_wait3A_168 = arith.constant 0 : i32
        %dma_wait3A_169 = arith.constant 0 : i32
        %dma_wait3A_170 = tpu.memref_slice %arg5[%dma_wait3A_168, %dma_wait3A_169] : memref<16x128xi32, #tpu.memory_space<vmem>> -> memref<1x128xi32, #tpu.memory_space<vmem>>
        %dma_wait3A_171 = tpu.memref_squeeze %dma_wait3A_170 : memref<1x128xi32, #tpu.memory_space<vmem>> -> memref<128xi32, #tpu.memory_space<vmem>>
        %dma_wait3A_172 = arith.constant 0 : i32
        %dma_wait3A_173 = tpu.memref_slice %arg9[%dma_wait3A_172] : memref<10240xf32, #tpu.memory_space<vmem_shared>> -> memref<10240xf32, #tpu.memory_space<vmem_shared>>
        tpu.wait_indirect_dma semaphore(%arg11 : memref<!tpu.dma_semaphore, #tpu.memory_space<semaphore_mem>>) src(%arg7 : memref<128xf32, #tpu.memory_space<vmem>>) dst(%dma_wait3A_173 : memref<10240xf32, #tpu.memory_space<vmem_shared>>)
      } else {
      }
      %scan3A_167 = arith.constant 0 : i32
      scf.yield %scan3A_167 : i32
    }
    %scan3A_30 = arith.constant 78 : i32
    %scan3A_31 = arith.constant 0 : i32
    %scan3A_32 = arith.constant 0 : i32
    %scan3A_33 = arith.constant 8 : i32
    %scan3A_34 = arith.addi %scan3A_32, %scan3A_33 : i32
    %scan3A_35 = arith.constant 1 : i32
    %scan3A_36 = scf.for %scan3A_45 = %scan3A_32 to %scan3A_34 step %scan3A_35 iter_args(%scan3A_46 = %scan3A_31) -> (i32)  : i32 {
      %dma_wait3A_47 = arith.constant 0 : i32
      %dma_wait3A_48 = arith.constant 0 : i32
      %dma_wait3A_49 = tpu.memref_slice %arg5[%dma_wait3A_47, %dma_wait3A_48] : memref<16x128xi32, #tpu.memory_space<vmem>> -> memref<1x128xi32, #tpu.memory_space<vmem>>
      %dma_wait3A_50 = tpu.memref_squeeze %dma_wait3A_49 : memref<1x128xi32, #tpu.memory_space<vmem>> -> memref<128xi32, #tpu.memory_space<vmem>>
      %dma_wait3A_51 = arith.constant 0 : i32
      %dma_wait3A_52 = tpu.memref_slice %arg9[%dma_wait3A_51] : memref<10240xf32, #tpu.memory_space<vmem_shared>> -> memref<10240xf32, #tpu.memory_space<vmem_shared>>
      tpu.wait_indirect_dma semaphore(%arg11 : memref<!tpu.dma_semaphore, #tpu.memory_space<semaphore_mem>>) src(%arg7 : memref<128xf32, #tpu.memory_space<vmem>>) dst(%dma_wait3A_52 : memref<10240xf32, #tpu.memory_space<vmem_shared>>)
      %scan3A_53 = arith.constant 0 : i32
      scf.yield %scan3A_53 : i32
    }
    %scan3A_37 = arith.constant 8 : i32
    %lt3A = arith.constant 4 : i32
    %lt3A_38 = arith.cmpi slt, %add3A, %lt3A : i32
    %convert_element_type3A = arith.extui %lt3A_38 : i1 to i32
    %cond3A = arith.constant 0 : i32
    %cond3A_39 = arith.cmpi ne, %convert_element_type3A, %cond3A : i32
    scf.if %cond3A_39 {
      %mul3A_45 = arith.constant 128 : i32
      %mul3A_46 = arith.muli %add3A, %mul3A_45 : i32
      %add3A_47 = arith.constant 319488 : i32
      %add3A_48 = arith.addi %add3A_47, %mul3A_46 : i32
      "tpu.region"() ({
        %run_scoped3A = tpu.sem_alloc : memref<!tpu.dma_semaphore, #tpu.memory_space<semaphore_mem>>
        %dma_start3A_61 = arith.constant 0 : i32
        %dma_start3A_62 = tpu.memref_slice %arg2[%dma_start3A_61, %add3A_48] : memref<2x320000xi32, #tpu.memory_space<hbm>> -> memref<2x128xi32, #tpu.memory_space<hbm>>
        %dma_start3A_63 = arith.constant 0 : i32
        %dma_start3A_64 = tpu.memref_slice %arg2[%dma_start3A_63, %add3A_48] : memref<2x320000xi32, #tpu.memory_space<hbm>> -> memref<2x128xi32, #tpu.memory_space<hbm>>
        tpu.enqueue_dma source(%dma_start3A_64 : memref<2x128xi32, #tpu.memory_space<hbm>>) target(%arg6 : memref<2x128xi32, #tpu.memory_space<vmem>>) target_semaphore(%run_scoped3A : memref<!tpu.dma_semaphore, #tpu.memory_space<semaphore_mem>>)
        %dma_wait3A_65 = arith.constant 0 : i32
        %dma_wait3A_66 = tpu.memref_slice %arg2[%dma_wait3A_65, %add3A_48] : memref<2x320000xi32, #tpu.memory_space<hbm>> -> memref<2x128xi32, #tpu.memory_space<hbm>>
        %dma_wait3A_67 = arith.constant 0 : i32
        %dma_wait3A_68 = tpu.memref_slice %arg2[%dma_wait3A_67, %add3A_48] : memref<2x320000xi32, #tpu.memory_space<hbm>> -> memref<2x128xi32, #tpu.memory_space<hbm>>
        tpu.wait_dma2 semaphore(%run_scoped3A : memref<!tpu.dma_semaphore, #tpu.memory_space<semaphore_mem>>) src(%dma_wait3A_68 : memref<2x128xi32, #tpu.memory_space<hbm>>) dst(%arg6 : memref<2x128xi32, #tpu.memory_space<vmem>>)
        tpu.yield
      }) : () -> ()
      %dma_start3A_49 = arith.constant 1 : i32
      %dma_start3A_50 = arith.constant 0 : i32
      %dma_start3A_51 = tpu.memref_slice %arg6[%dma_start3A_49, %dma_start3A_50] : memref<2x128xi32, #tpu.memory_space<vmem>> -> memref<1x128xi32, #tpu.memory_space<vmem>>
      %dma_start3A_52 = tpu.memref_squeeze %dma_start3A_51 : memref<1x128xi32, #tpu.memory_space<vmem>> -> memref<128xi32, #tpu.memory_space<vmem>>
      %dma_start3A_53 = arith.constant 0 : i32
      %dma_start3A_54 = tpu.memref_slice %arg9[%dma_start3A_53] : memref<10240xf32, #tpu.memory_space<vmem_shared>> -> memref<10240xf32, #tpu.memory_space<vmem_shared>>
      tpu.enqueue_indirect_dma source(%arg7 : memref<128xf32, #tpu.memory_space<vmem>>) target(%dma_start3A_54 : memref<10240xf32, #tpu.memory_space<vmem_shared>>) offsets(%dma_start3A_52 : memref<128xi32, #tpu.memory_space<vmem>>) semaphore(%arg11 : memref<!tpu.dma_semaphore, #tpu.memory_space<semaphore_mem>>) {add = true}
      %dma_wait3A_55 = arith.constant 1 : i32
      %dma_wait3A_56 = arith.constant 0 : i32
      %dma_wait3A_57 = tpu.memref_slice %arg6[%dma_wait3A_55, %dma_wait3A_56] : memref<2x128xi32, #tpu.memory_space<vmem>> -> memref<1x128xi32, #tpu.memory_space<vmem>>
      %dma_wait3A_58 = tpu.memref_squeeze %dma_wait3A_57 : memref<1x128xi32, #tpu.memory_space<vmem>> -> memref<128xi32, #tpu.memory_space<vmem>>
      %dma_wait3A_59 = arith.constant 0 : i32
      %dma_wait3A_60 = tpu.memref_slice %arg9[%dma_wait3A_59] : memref<10240xf32, #tpu.memory_space<vmem_shared>> -> memref<10240xf32, #tpu.memory_space<vmem_shared>>
      tpu.wait_indirect_dma semaphore(%arg11 : memref<!tpu.dma_semaphore, #tpu.memory_space<semaphore_mem>>) src(%arg7 : memref<128xf32, #tpu.memory_space<vmem>>) dst(%dma_wait3A_60 : memref<10240xf32, #tpu.memory_space<vmem_shared>>)
    } else {
    }
    %barrier3A_40 = arith.constant 0 : index
    tpu.barrier barrier_id(%barrier3A_40)
    %mul3A_41 = arith.constant 640 : i32
    %mul3A_42 = arith.muli %arg1, %mul3A_41 : i32
    %mul3A_43 = arith.constant 640 : i32
    %mul3A_44 = arith.muli %arg1, %mul3A_43 : i32
    "tpu.region"() ({
      %run_scoped3A = tpu.sem_alloc : memref<!tpu.dma_semaphore, #tpu.memory_space<semaphore_mem>>
      %dma_start3A_45 = tpu.memref_slice %arg3[%arg0, %mul3A_44] : memref<2x10240xf32, #tpu.memory_space<hbm>> -> memref<1x640xf32, #tpu.memory_space<hbm>>
      %dma_start3A_46 = tpu.memref_squeeze %dma_start3A_45 : memref<1x640xf32, #tpu.memory_space<hbm>> -> memref<640xf32, #tpu.memory_space<hbm>>
      %dma_start3A_47 = tpu.memref_slice %arg9[%mul3A_42] : memref<10240xf32, #tpu.memory_space<vmem_shared>> -> memref<640xf32, #tpu.memory_space<vmem_shared>>
      tpu.enqueue_dma source(%dma_start3A_47 : memref<640xf32, #tpu.memory_space<vmem_shared>>) target(%dma_start3A_46 : memref<640xf32, #tpu.memory_space<hbm>>) target_semaphore(%run_scoped3A : memref<!tpu.dma_semaphore, #tpu.memory_space<semaphore_mem>>)
      %dma_wait3A_48 = tpu.memref_slice %arg3[%arg0, %mul3A_44] : memref<2x10240xf32, #tpu.memory_space<hbm>> -> memref<1x640xf32, #tpu.memory_space<hbm>>
      %dma_wait3A_49 = tpu.memref_squeeze %dma_wait3A_48 : memref<1x640xf32, #tpu.memory_space<hbm>> -> memref<640xf32, #tpu.memory_space<hbm>>
      %dma_wait3A_50 = tpu.memref_slice %arg9[%mul3A_42] : memref<10240xf32, #tpu.memory_space<vmem_shared>> -> memref<640xf32, #tpu.memory_space<vmem_shared>>
      tpu.wait_dma2 semaphore(%run_scoped3A : memref<!tpu.dma_semaphore, #tpu.memory_space<semaphore_mem>>) src(%dma_wait3A_50 : memref<640xf32, #tpu.memory_space<vmem_shared>>) dst(%dma_wait3A_49 : memref<640xf32, #tpu.memory_space<hbm>>)
      tpu.yield
    }) : () -> ()
    return
  }
}

#map = affine_map<(d0, d1) -> (0, 0)>
#map1 = affine_map<(d0, d1) -> (0, 0, 0)>
module attributes {stable_mosaic.version = 14 : i64} {
  func.func @_prop_kernel(%arg0: i32, %arg1: i32, %arg2: memref<10240x128xf32, #tpu.memory_space<hbm>>, %arg3: memref<2x320000xi32, #tpu.memory_space<hbm>>, %arg4: memref<2x10240x128xf32, #tpu.memory_space<hbm>>, %arg5: memref<8x128xi32, #tpu.memory_space<vmem>>, %arg6: memref<2x128x128xf32, #tpu.memory_space<vmem>>, %arg7: memref<2x128xi32, #tpu.memory_space<vmem>>, %arg8: memref<10240x128xf32, #tpu.memory_space<vmem_shared>>, %arg9: memref<!tpu.dma_semaphore, #tpu.memory_space<semaphore_mem>>, %arg10: memref<!tpu.dma_semaphore, #tpu.memory_space<semaphore_mem>>, %arg11: memref<!tpu.dma_semaphore, #tpu.memory_space<semaphore_mem>>) attributes {dimension_semantics = [#tpu.dimension_semantics<core_parallel>, #tpu.dimension_semantics<subcore_parallel>], iteration_bounds = array<i64: 2, 16>, scalar_prefetch = 0 : i64, scratch_operands = 7 : i64, tpu.core_type = #tpu.core_type<sc_vector_subcore>, window_params = [{transform_indices = #map}, {transform_indices = #map}, {transform_indices = #map1}]} {
    %mul3A = arith.constant 2 : i32
    %mul3A_0 = arith.muli %arg1, %mul3A : i32
    %add3A = arith.addi %mul3A_0, %arg0 : i32
    %mul3A_1 = arith.constant 9984 : i32
    %mul3A_2 = arith.muli %add3A, %mul3A_1 : i32
    %rem3A = arith.constant 0 : i32
    %rem3A_3 = arith.constant 4 : i32
    %rem3A_4 = arith.remsi %rem3A, %rem3A_3 : i32
    %add3A_5 = arith.constant 0 : i32
    %add3A_6 = arith.addi %mul3A_2, %add3A_5 : i32
    %mul3A_7 = arith.constant 2 : i32
    %mul3A_8 = arith.muli %mul3A_7, %rem3A_4 : i32
    %dma_start3A = arith.constant 0 : i32
    %dma_start3A_9 = tpu.memref_slice %arg5[%mul3A_8, %dma_start3A] : memref<8x128xi32, #tpu.memory_space<vmem>> -> memref<2x128xi32, #tpu.memory_space<vmem>>
    %dma_start3A_10 = arith.constant 0 : i32
    %dma_start3A_11 = tpu.memref_slice %arg3[%dma_start3A_10, %add3A_6] : memref<2x320000xi32, #tpu.memory_space<hbm>> -> memref<2x128xi32, #tpu.memory_space<hbm>>
    %dma_start3A_12 = arith.constant 0 : i32
    %dma_start3A_13 = tpu.memref_slice %arg5[%mul3A_8, %dma_start3A_12] : memref<8x128xi32, #tpu.memory_space<vmem>> -> memref<2x128xi32, #tpu.memory_space<vmem>>
    %dma_start3A_14 = arith.constant 0 : i32
    %dma_start3A_15 = tpu.memref_slice %arg3[%dma_start3A_14, %add3A_6] : memref<2x320000xi32, #tpu.memory_space<hbm>> -> memref<2x128xi32, #tpu.memory_space<hbm>>
    tpu.enqueue_dma source(%dma_start3A_15 : memref<2x128xi32, #tpu.memory_space<hbm>>) target(%dma_start3A_13 : memref<2x128xi32, #tpu.memory_space<vmem>>) target_semaphore(%arg9 : memref<!tpu.dma_semaphore, #tpu.memory_space<semaphore_mem>>)
    %rem3A_16 = arith.constant 1 : i32
    %rem3A_17 = arith.constant 4 : i32
    %rem3A_18 = arith.remsi %rem3A_16, %rem3A_17 : i32
    %add3A_19 = arith.constant 128 : i32
    %add3A_20 = arith.addi %mul3A_2, %add3A_19 : i32
    %mul3A_21 = arith.constant 2 : i32
    %mul3A_22 = arith.muli %mul3A_21, %rem3A_18 : i32
    %dma_start3A_23 = arith.constant 0 : i32
    %dma_start3A_24 = tpu.memref_slice %arg5[%mul3A_22, %dma_start3A_23] : memref<8x128xi32, #tpu.memory_space<vmem>> -> memref<2x128xi32, #tpu.memory_space<vmem>>
    %dma_start3A_25 = arith.constant 0 : i32
    %dma_start3A_26 = tpu.memref_slice %arg3[%dma_start3A_25, %add3A_20] : memref<2x320000xi32, #tpu.memory_space<hbm>> -> memref<2x128xi32, #tpu.memory_space<hbm>>
    %dma_start3A_27 = arith.constant 0 : i32
    %dma_start3A_28 = tpu.memref_slice %arg5[%mul3A_22, %dma_start3A_27] : memref<8x128xi32, #tpu.memory_space<vmem>> -> memref<2x128xi32, #tpu.memory_space<vmem>>
    %dma_start3A_29 = arith.constant 0 : i32
    %dma_start3A_30 = tpu.memref_slice %arg3[%dma_start3A_29, %add3A_20] : memref<2x320000xi32, #tpu.memory_space<hbm>> -> memref<2x128xi32, #tpu.memory_space<hbm>>
    tpu.enqueue_dma source(%dma_start3A_30 : memref<2x128xi32, #tpu.memory_space<hbm>>) target(%dma_start3A_28 : memref<2x128xi32, #tpu.memory_space<vmem>>) target_semaphore(%arg9 : memref<!tpu.dma_semaphore, #tpu.memory_space<semaphore_mem>>)
    %mul3A_31 = arith.constant 640 : i32
    %mul3A_32 = arith.muli %arg1, %mul3A_31 : i32
    %eq3A = arith.constant 0 : i32
    %eq3A_33 = arith.cmpi eq, %arg0, %eq3A : i32
    %convert_element_type3A = arith.extui %eq3A_33 : i1 to i32
    %cond3A = arith.constant 0 : i32
    %cond3A_34 = arith.cmpi ne, %convert_element_type3A, %cond3A : i32
    scf.if %cond3A_34 {
      %add3A_278 = arith.constant 0 : i32
      %add3A_279 = arith.addi %mul3A_32, %add3A_278 : i32
      %add3A_280 = arith.constant 0 : i32
      %add3A_281 = arith.addi %mul3A_32, %add3A_280 : i32
      %dma_start3A_282 = arith.constant 0 : i32
      %dma_start3A_283 = tpu.memref_slice %arg8[%add3A_281, %dma_start3A_282] : memref<10240x128xf32, #tpu.memory_space<vmem_shared>> -> memref<128x128xf32, #tpu.memory_space<vmem_shared>>
      %dma_start3A_284 = arith.constant 0 : i32
      %dma_start3A_285 = tpu.memref_slice %arg2[%add3A_279, %dma_start3A_284] : memref<10240x128xf32, #tpu.memory_space<hbm>> -> memref<128x128xf32, #tpu.memory_space<hbm>>
      tpu.enqueue_dma source(%dma_start3A_285 : memref<128x128xf32, #tpu.memory_space<hbm>>) target(%dma_start3A_283 : memref<128x128xf32, #tpu.memory_space<vmem_shared>>) target_semaphore(%arg10 : memref<!tpu.dma_semaphore, #tpu.memory_space<semaphore_mem>>)
      %add3A_286 = arith.constant 128 : i32
      %add3A_287 = arith.addi %mul3A_32, %add3A_286 : i32
      %add3A_288 = arith.constant 128 : i32
      %add3A_289 = arith.addi %mul3A_32, %add3A_288 : i32
      %dma_start3A_290 = arith.constant 0 : i32
      %dma_start3A_291 = tpu.memref_slice %arg8[%add3A_289, %dma_start3A_290] : memref<10240x128xf32, #tpu.memory_space<vmem_shared>> -> memref<128x128xf32, #tpu.memory_space<vmem_shared>>
      %dma_start3A_292 = arith.constant 0 : i32
      %dma_start3A_293 = tpu.memref_slice %arg2[%add3A_287, %dma_start3A_292] : memref<10240x128xf32, #tpu.memory_space<hbm>> -> memref<128x128xf32, #tpu.memory_space<hbm>>
      tpu.enqueue_dma source(%dma_start3A_293 : memref<128x128xf32, #tpu.memory_space<hbm>>) target(%dma_start3A_291 : memref<128x128xf32, #tpu.memory_space<vmem_shared>>) target_semaphore(%arg10 : memref<!tpu.dma_semaphore, #tpu.memory_space<semaphore_mem>>)
      %add3A_294 = arith.constant 256 : i32
      %add3A_295 = arith.addi %mul3A_32, %add3A_294 : i32
      %add3A_296 = arith.constant 256 : i32
      %add3A_297 = arith.addi %mul3A_32, %add3A_296 : i32
      %dma_start3A_298 = arith.constant 0 : i32
      %dma_start3A_299 = tpu.memref_slice %arg8[%add3A_297, %dma_start3A_298] : memref<10240x128xf32, #tpu.memory_space<vmem_shared>> -> memref<128x128xf32, #tpu.memory_space<vmem_shared>>
      %dma_start3A_300 = arith.constant 0 : i32
      %dma_start3A_301 = tpu.memref_slice %arg2[%add3A_295, %dma_start3A_300] : memref<10240x128xf32, #tpu.memory_space<hbm>> -> memref<128x128xf32, #tpu.memory_space<hbm>>
      tpu.enqueue_dma source(%dma_start3A_301 : memref<128x128xf32, #tpu.memory_space<hbm>>) target(%dma_start3A_299 : memref<128x128xf32, #tpu.memory_space<vmem_shared>>) target_semaphore(%arg10 : memref<!tpu.dma_semaphore, #tpu.memory_space<semaphore_mem>>)
      %add3A_302 = arith.constant 384 : i32
      %add3A_303 = arith.addi %mul3A_32, %add3A_302 : i32
      %add3A_304 = arith.constant 384 : i32
      %add3A_305 = arith.addi %mul3A_32, %add3A_304 : i32
      %dma_start3A_306 = arith.constant 0 : i32
      %dma_start3A_307 = tpu.memref_slice %arg8[%add3A_305, %dma_start3A_306] : memref<10240x128xf32, #tpu.memory_space<vmem_shared>> -> memref<128x128xf32, #tpu.memory_space<vmem_shared>>
      %dma_start3A_308 = arith.constant 0 : i32
      %dma_start3A_309 = tpu.memref_slice %arg2[%add3A_303, %dma_start3A_308] : memref<10240x128xf32, #tpu.memory_space<hbm>> -> memref<128x128xf32, #tpu.memory_space<hbm>>
      tpu.enqueue_dma source(%dma_start3A_309 : memref<128x128xf32, #tpu.memory_space<hbm>>) target(%dma_start3A_307 : memref<128x128xf32, #tpu.memory_space<vmem_shared>>) target_semaphore(%arg10 : memref<!tpu.dma_semaphore, #tpu.memory_space<semaphore_mem>>)
      %add3A_310 = arith.constant 512 : i32
      %add3A_311 = arith.addi %mul3A_32, %add3A_310 : i32
      %add3A_312 = arith.constant 512 : i32
      %add3A_313 = arith.addi %mul3A_32, %add3A_312 : i32
      %dma_start3A_314 = arith.constant 0 : i32
      %dma_start3A_315 = tpu.memref_slice %arg8[%add3A_313, %dma_start3A_314] : memref<10240x128xf32, #tpu.memory_space<vmem_shared>> -> memref<128x128xf32, #tpu.memory_space<vmem_shared>>
      %dma_start3A_316 = arith.constant 0 : i32
      %dma_start3A_317 = tpu.memref_slice %arg2[%add3A_311, %dma_start3A_316] : memref<10240x128xf32, #tpu.memory_space<hbm>> -> memref<128x128xf32, #tpu.memory_space<hbm>>
      tpu.enqueue_dma source(%dma_start3A_317 : memref<128x128xf32, #tpu.memory_space<hbm>>) target(%dma_start3A_315 : memref<128x128xf32, #tpu.memory_space<vmem_shared>>) target_semaphore(%arg10 : memref<!tpu.dma_semaphore, #tpu.memory_space<semaphore_mem>>)
      %add3A_318 = arith.constant 0 : i32
      %add3A_319 = arith.addi %mul3A_32, %add3A_318 : i32
      %add3A_320 = arith.constant 0 : i32
      %add3A_321 = arith.addi %mul3A_32, %add3A_320 : i32
      %dma_wait3A_322 = arith.constant 0 : i32
      %dma_wait3A_323 = tpu.memref_slice %arg8[%add3A_321, %dma_wait3A_322] : memref<10240x128xf32, #tpu.memory_space<vmem_shared>> -> memref<128x128xf32, #tpu.memory_space<vmem_shared>>
      %dma_wait3A_324 = arith.constant 0 : i32
      %dma_wait3A_325 = tpu.memref_slice %arg2[%add3A_319, %dma_wait3A_324] : memref<10240x128xf32, #tpu.memory_space<hbm>> -> memref<128x128xf32, #tpu.memory_space<hbm>>
      tpu.wait_dma2 semaphore(%arg10 : memref<!tpu.dma_semaphore, #tpu.memory_space<semaphore_mem>>) src(%dma_wait3A_325 : memref<128x128xf32, #tpu.memory_space<hbm>>) dst(%dma_wait3A_323 : memref<128x128xf32, #tpu.memory_space<vmem_shared>>)
      %add3A_326 = arith.constant 128 : i32
      %add3A_327 = arith.addi %mul3A_32, %add3A_326 : i32
      %add3A_328 = arith.constant 128 : i32
      %add3A_329 = arith.addi %mul3A_32, %add3A_328 : i32
      %dma_wait3A_330 = arith.constant 0 : i32
      %dma_wait3A_331 = tpu.memref_slice %arg8[%add3A_329, %dma_wait3A_330] : memref<10240x128xf32, #tpu.memory_space<vmem_shared>> -> memref<128x128xf32, #tpu.memory_space<vmem_shared>>
      %dma_wait3A_332 = arith.constant 0 : i32
      %dma_wait3A_333 = tpu.memref_slice %arg2[%add3A_327, %dma_wait3A_332] : memref<10240x128xf32, #tpu.memory_space<hbm>> -> memref<128x128xf32, #tpu.memory_space<hbm>>
      tpu.wait_dma2 semaphore(%arg10 : memref<!tpu.dma_semaphore, #tpu.memory_space<semaphore_mem>>) src(%dma_wait3A_333 : memref<128x128xf32, #tpu.memory_space<hbm>>) dst(%dma_wait3A_331 : memref<128x128xf32, #tpu.memory_space<vmem_shared>>)
      %add3A_334 = arith.constant 256 : i32
      %add3A_335 = arith.addi %mul3A_32, %add3A_334 : i32
      %add3A_336 = arith.constant 256 : i32
      %add3A_337 = arith.addi %mul3A_32, %add3A_336 : i32
      %dma_wait3A_338 = arith.constant 0 : i32
      %dma_wait3A_339 = tpu.memref_slice %arg8[%add3A_337, %dma_wait3A_338] : memref<10240x128xf32, #tpu.memory_space<vmem_shared>> -> memref<128x128xf32, #tpu.memory_space<vmem_shared>>
      %dma_wait3A_340 = arith.constant 0 : i32
      %dma_wait3A_341 = tpu.memref_slice %arg2[%add3A_335, %dma_wait3A_340] : memref<10240x128xf32, #tpu.memory_space<hbm>> -> memref<128x128xf32, #tpu.memory_space<hbm>>
      tpu.wait_dma2 semaphore(%arg10 : memref<!tpu.dma_semaphore, #tpu.memory_space<semaphore_mem>>) src(%dma_wait3A_341 : memref<128x128xf32, #tpu.memory_space<hbm>>) dst(%dma_wait3A_339 : memref<128x128xf32, #tpu.memory_space<vmem_shared>>)
      %add3A_342 = arith.constant 384 : i32
      %add3A_343 = arith.addi %mul3A_32, %add3A_342 : i32
      %add3A_344 = arith.constant 384 : i32
      %add3A_345 = arith.addi %mul3A_32, %add3A_344 : i32
      %dma_wait3A_346 = arith.constant 0 : i32
      %dma_wait3A_347 = tpu.memref_slice %arg8[%add3A_345, %dma_wait3A_346] : memref<10240x128xf32, #tpu.memory_space<vmem_shared>> -> memref<128x128xf32, #tpu.memory_space<vmem_shared>>
      %dma_wait3A_348 = arith.constant 0 : i32
      %dma_wait3A_349 = tpu.memref_slice %arg2[%add3A_343, %dma_wait3A_348] : memref<10240x128xf32, #tpu.memory_space<hbm>> -> memref<128x128xf32, #tpu.memory_space<hbm>>
      tpu.wait_dma2 semaphore(%arg10 : memref<!tpu.dma_semaphore, #tpu.memory_space<semaphore_mem>>) src(%dma_wait3A_349 : memref<128x128xf32, #tpu.memory_space<hbm>>) dst(%dma_wait3A_347 : memref<128x128xf32, #tpu.memory_space<vmem_shared>>)
      %add3A_350 = arith.constant 512 : i32
      %add3A_351 = arith.addi %mul3A_32, %add3A_350 : i32
      %add3A_352 = arith.constant 512 : i32
      %add3A_353 = arith.addi %mul3A_32, %add3A_352 : i32
      %dma_wait3A_354 = arith.constant 0 : i32
      %dma_wait3A_355 = tpu.memref_slice %arg8[%add3A_353, %dma_wait3A_354] : memref<10240x128xf32, #tpu.memory_space<vmem_shared>> -> memref<128x128xf32, #tpu.memory_space<vmem_shared>>
      %dma_wait3A_356 = arith.constant 0 : i32
      %dma_wait3A_357 = tpu.memref_slice %arg2[%add3A_351, %dma_wait3A_356] : memref<10240x128xf32, #tpu.memory_space<hbm>> -> memref<128x128xf32, #tpu.memory_space<hbm>>
      tpu.wait_dma2 semaphore(%arg10 : memref<!tpu.dma_semaphore, #tpu.memory_space<semaphore_mem>>) src(%dma_wait3A_357 : memref<128x128xf32, #tpu.memory_space<hbm>>) dst(%dma_wait3A_355 : memref<128x128xf32, #tpu.memory_space<vmem_shared>>)
    } else {
    }
    %ne3A = arith.constant 0 : i32
    %ne3A_35 = arith.cmpi ne, %arg0, %ne3A : i32
    %convert_element_type3A_36 = arith.extui %ne3A_35 : i1 to i32
    %cond3A_37 = arith.constant 0 : i32
    %cond3A_38 = arith.cmpi ne, %convert_element_type3A_36, %cond3A_37 : i32
    scf.if %cond3A_38 {
      %scan3A_278 = arith.constant 0 : i32
      %scan3A_279 = arith.constant 0 : i32
      %scan3A_280 = arith.constant 1024 : i32
      %scan3A_281 = arith.addi %scan3A_279, %scan3A_280 : i32
      %scan3A_282 = arith.constant 1 : i32
      %scan3A_283 = scf.for %scan3A_435 = %scan3A_279 to %scan3A_281 step %scan3A_282 iter_args(%scan3A_436 = %scan3A_278) -> (i32)  : i32 {
        %broadcast_in_dim3A = arith.constant 0.000000e+00 : f32
        %broadcast_in_dim3A_437 = vector.broadcast %broadcast_in_dim3A : f32 to vector<16xf32>
        %jit3A = arith.constant 8 : i32
        %div3A = arith.divsi %scan3A_435, %jit3A : i32
        %sign3A = arith.constant 0 : i32
        %sign3A_438 = arith.cmpi sgt, %scan3A_435, %sign3A : i32
        %sign3A_439 = arith.extui %sign3A_438 : i1 to i32
        %sign3A_440 = arith.constant 0 : i32
        %sign3A_441 = arith.cmpi slt, %scan3A_435, %sign3A_440 : i32
        %sign3A_442 = arith.extui %sign3A_441 : i1 to i32
        %sign3A_443 = arith.subi %sign3A_439, %sign3A_442 : i32
        %sign3A_444 = arith.constant 0 : i32
        %sign3A_445 = arith.cmpi sgt, %jit3A, %sign3A_444 : i32
        %sign3A_446 = arith.extui %sign3A_445 : i1 to i32
        %sign3A_447 = arith.constant 0 : i32
        %sign3A_448 = arith.cmpi slt, %jit3A, %sign3A_447 : i32
        %sign3A_449 = arith.extui %sign3A_448 : i1 to i32
        %sign3A_450 = arith.subi %sign3A_446, %sign3A_449 : i32
        %ne3A_451 = arith.cmpi ne, %sign3A_443, %sign3A_450 : i32
        %rem3A_452 = arith.remsi %scan3A_435, %jit3A : i32
        %ne3A_453 = arith.constant 0 : i32
        %ne3A_454 = arith.cmpi ne, %rem3A_452, %ne3A_453 : i32
        %and3A = arith.andi %ne3A_451, %ne3A_454 : i1
        %sub3A = arith.constant 1 : i32
        %sub3A_455 = arith.subi %div3A, %sub3A : i32
        %select_n3A = arith.select %and3A, %sub3A_455, %div3A : i32
        %jit3A_456 = arith.constant 8 : i32
        %eq3A_457 = arith.constant 0 : i32
        %eq3A_458 = arith.cmpi eq, %jit3A_456, %eq3A_457 : i32
        %jit3A_459 = arith.constant 1 : i32
        %select_n3A_460 = arith.select %eq3A_458, %jit3A_459, %jit3A_456 : i32
        %rem3A_461 = arith.remsi %scan3A_435, %select_n3A_460 : i32
        %ne3A_462 = arith.constant 0 : i32
        %ne3A_463 = arith.cmpi ne, %rem3A_461, %ne3A_462 : i32
        %lt3A_464 = arith.constant 0 : i32
        %lt3A_465 = arith.cmpi slt, %rem3A_461, %lt3A_464 : i32
        %lt3A_466 = arith.constant 0 : i32
        %lt3A_467 = arith.cmpi slt, %select_n3A_460, %lt3A_466 : i32
        %ne3A_468 = arith.xori %lt3A_465, %lt3A_467 : i1
        %and3A_469 = arith.andi %ne3A_468, %ne3A_463 : i1
        %add3A_470 = arith.addi %rem3A_461, %select_n3A_460 : i32
        %select_n3A_471 = arith.select %and3A_469, %add3A_470, %rem3A_461 : i32
        %mul3A_472 = arith.constant 16 : i32
        %mul3A_473 = arith.muli %select_n3A_471, %mul3A_472 : i32
        %swap3A = arith.constant 1 : i32
        %swap3A_474 = arith.index_cast %swap3A : i32 to index
        %swap3A_475 = arith.index_cast %select_n3A : i32 to index
        %swap3A_476 = arith.index_cast %mul3A_473 : i32 to index
        %swap3A_477 = tpu.vector_load %arg6[%swap3A_474, %swap3A_475, %swap3A_476] {strides = array<i32>} : memref<2x128x128xf32, #tpu.memory_space<vmem>>, vector<1x1x16xf32>,
        %swap3A_478 = vector.shape_cast %swap3A_477 : vector<1x1x16xf32> to vector<16xf32>
        %swap3A_479 = vector.shape_cast %broadcast_in_dim3A_437 : vector<16xf32> to vector<1x1x16xf32>
        tpu.vector_store %arg6[%swap3A_474, %swap3A_475, %swap3A_476], %swap3A_479 {strides = array<i32>} : memref<2x128x128xf32, #tpu.memory_space<vmem>>, vector<1x1x16xf32>,
        %scan3A_480 = arith.constant 0 : i32
        scf.yield %scan3A_480 : i32
      }
      %scan3A_284 = arith.constant 1024 : i32
      %add3A_285 = arith.constant 0 : i32
      %add3A_286 = arith.addi %mul3A_32, %add3A_285 : i32
      %dma_start3A_287 = arith.constant 1 : i32
      %dma_start3A_288 = arith.constant 0 : i32
      %dma_start3A_289 = arith.constant 0 : i32
      %dma_start3A_290 = tpu.memref_slice %arg6[%dma_start3A_287, %dma_start3A_288, %dma_start3A_289] : memref<2x128x128xf32, #tpu.memory_space<vmem>> -> memref<1x128x128xf32, #tpu.memory_space<vmem>>
      %dma_start3A_291 = tpu.memref_squeeze %dma_start3A_290 : memref<1x128x128xf32, #tpu.memory_space<vmem>> -> memref<128x128xf32, #tpu.memory_space<vmem>>
      %dma_start3A_292 = arith.constant 0 : i32
      %dma_start3A_293 = tpu.memref_slice %arg8[%add3A_286, %dma_start3A_292] : memref<10240x128xf32, #tpu.memory_space<vmem_shared>> -> memref<128x128xf32, #tpu.memory_space<vmem_shared>>
      %dma_start3A_294 = arith.constant 0 : i32
      %dma_start3A_295 = tpu.memref_slice %arg8[%add3A_286, %dma_start3A_294] : memref<10240x128xf32, #tpu.memory_space<vmem_shared>> -> memref<128x128xf32, #tpu.memory_space<vmem_shared>>
      %dma_start3A_296 = arith.constant 0 : i32
      %dma_start3A_297 = arith.constant 0 : i32
      %dma_start3A_298 = tpu.memref_slice %arg6[%dma_start3A_287, %dma_start3A_296, %dma_start3A_297] : memref<2x128x128xf32, #tpu.memory_space<vmem>> -> memref<1x128x128xf32, #tpu.memory_space<vmem>>
      %dma_start3A_299 = tpu.memref_squeeze %dma_start3A_298 : memref<1x128x128xf32, #tpu.memory_space<vmem>> -> memref<128x128xf32, #tpu.memory_space<vmem>>
      tpu.enqueue_dma source(%dma_start3A_299 : memref<128x128xf32, #tpu.memory_space<vmem>>) target(%dma_start3A_295 : memref<128x128xf32, #tpu.memory_space<vmem_shared>>) target_semaphore(%arg10 : memref<!tpu.dma_semaphore, #tpu.memory_space<semaphore_mem>>)
      %add3A_300 = arith.constant 128 : i32
      %add3A_301 = arith.addi %mul3A_32, %add3A_300 : i32
      %dma_start3A_302 = arith.constant 1 : i32
      %dma_start3A_303 = arith.constant 0 : i32
      %dma_start3A_304 = arith.constant 0 : i32
      %dma_start3A_305 = tpu.memref_slice %arg6[%dma_start3A_302, %dma_start3A_303, %dma_start3A_304] : memref<2x128x128xf32, #tpu.memory_space<vmem>> -> memref<1x128x128xf32, #tpu.memory_space<vmem>>
      %dma_start3A_306 = tpu.memref_squeeze %dma_start3A_305 : memref<1x128x128xf32, #tpu.memory_space<vmem>> -> memref<128x128xf32, #tpu.memory_space<vmem>>
      %dma_start3A_307 = arith.constant 0 : i32
      %dma_start3A_308 = tpu.memref_slice %arg8[%add3A_301, %dma_start3A_307] : memref<10240x128xf32, #tpu.memory_space<vmem_shared>> -> memref<128x128xf32, #tpu.memory_space<vmem_shared>>
      %dma_start3A_309 = arith.constant 0 : i32
      %dma_start3A_310 = tpu.memref_slice %arg8[%add3A_301, %dma_start3A_309] : memref<10240x128xf32, #tpu.memory_space<vmem_shared>> -> memref<128x128xf32, #tpu.memory_space<vmem_shared>>
      %dma_start3A_311 = arith.constant 0 : i32
      %dma_start3A_312 = arith.constant 0 : i32
      %dma_start3A_313 = tpu.memref_slice %arg6[%dma_start3A_302, %dma_start3A_311, %dma_start3A_312] : memref<2x128x128xf32, #tpu.memory_space<vmem>> -> memref<1x128x128xf32, #tpu.memory_space<vmem>>
      %dma_start3A_314 = tpu.memref_squeeze %dma_start3A_313 : memref<1x128x128xf32, #tpu.memory_space<vmem>> -> memref<128x128xf32, #tpu.memory_space<vmem>>
      tpu.enqueue_dma source(%dma_start3A_314 : memref<128x128xf32, #tpu.memory_space<vmem>>) target(%dma_start3A_310 : memref<128x128xf32, #tpu.memory_space<vmem_shared>>) target_semaphore(%arg10 : memref<!tpu.dma_semaphore, #tpu.memory_space<semaphore_mem>>)
      %add3A_315 = arith.constant 256 : i32
      %add3A_316 = arith.addi %mul3A_32, %add3A_315 : i32
      %dma_start3A_317 = arith.constant 1 : i32
      %dma_start3A_318 = arith.constant 0 : i32
      %dma_start3A_319 = arith.constant 0 : i32
      %dma_start3A_320 = tpu.memref_slice %arg6[%dma_start3A_317, %dma_start3A_318, %dma_start3A_319] : memref<2x128x128xf32, #tpu.memory_space<vmem>> -> memref<1x128x128xf32, #tpu.memory_space<vmem>>
      %dma_start3A_321 = tpu.memref_squeeze %dma_start3A_320 : memref<1x128x128xf32, #tpu.memory_space<vmem>> -> memref<128x128xf32, #tpu.memory_space<vmem>>
      %dma_start3A_322 = arith.constant 0 : i32
      %dma_start3A_323 = tpu.memref_slice %arg8[%add3A_316, %dma_start3A_322] : memref<10240x128xf32, #tpu.memory_space<vmem_shared>> -> memref<128x128xf32, #tpu.memory_space<vmem_shared>>
      %dma_start3A_324 = arith.constant 0 : i32
      %dma_start3A_325 = tpu.memref_slice %arg8[%add3A_316, %dma_start3A_324] : memref<10240x128xf32, #tpu.memory_space<vmem_shared>> -> memref<128x128xf32, #tpu.memory_space<vmem_shared>>
      %dma_start3A_326 = arith.constant 0 : i32
      %dma_start3A_327 = arith.constant 0 : i32
      %dma_start3A_328 = tpu.memref_slice %arg6[%dma_start3A_317, %dma_start3A_326, %dma_start3A_327] : memref<2x128x128xf32, #tpu.memory_space<vmem>> -> memref<1x128x128xf32, #tpu.memory_space<vmem>>
      %dma_start3A_329 = tpu.memref_squeeze %dma_start3A_328 : memref<1x128x128xf32, #tpu.memory_space<vmem>> -> memref<128x128xf32, #tpu.memory_space<vmem>>
      tpu.enqueue_dma source(%dma_start3A_329 : memref<128x128xf32, #tpu.memory_space<vmem>>) target(%dma_start3A_325 : memref<128x128xf32, #tpu.memory_space<vmem_shared>>) target_semaphore(%arg10 : memref<!tpu.dma_semaphore, #tpu.memory_space<semaphore_mem>>)
      %add3A_330 = arith.constant 384 : i32
      %add3A_331 = arith.addi %mul3A_32, %add3A_330 : i32
      %dma_start3A_332 = arith.constant 1 : i32
      %dma_start3A_333 = arith.constant 0 : i32
      %dma_start3A_334 = arith.constant 0 : i32
      %dma_start3A_335 = tpu.memref_slice %arg6[%dma_start3A_332, %dma_start3A_333, %dma_start3A_334] : memref<2x128x128xf32, #tpu.memory_space<vmem>> -> memref<1x128x128xf32, #tpu.memory_space<vmem>>
      %dma_start3A_336 = tpu.memref_squeeze %dma_start3A_335 : memref<1x128x128xf32, #tpu.memory_space<vmem>> -> memref<128x128xf32, #tpu.memory_space<vmem>>
      %dma_start3A_337 = arith.constant 0 : i32
      %dma_start3A_338 = tpu.memref_slice %arg8[%add3A_331, %dma_start3A_337] : memref<10240x128xf32, #tpu.memory_space<vmem_shared>> -> memref<128x128xf32, #tpu.memory_space<vmem_shared>>
      %dma_start3A_339 = arith.constant 0 : i32
      %dma_start3A_340 = tpu.memref_slice %arg8[%add3A_331, %dma_start3A_339] : memref<10240x128xf32, #tpu.memory_space<vmem_shared>> -> memref<128x128xf32, #tpu.memory_space<vmem_shared>>
      %dma_start3A_341 = arith.constant 0 : i32
      %dma_start3A_342 = arith.constant 0 : i32
      %dma_start3A_343 = tpu.memref_slice %arg6[%dma_start3A_332, %dma_start3A_341, %dma_start3A_342] : memref<2x128x128xf32, #tpu.memory_space<vmem>> -> memref<1x128x128xf32, #tpu.memory_space<vmem>>
      %dma_start3A_344 = tpu.memref_squeeze %dma_start3A_343 : memref<1x128x128xf32, #tpu.memory_space<vmem>> -> memref<128x128xf32, #tpu.memory_space<vmem>>
      tpu.enqueue_dma source(%dma_start3A_344 : memref<128x128xf32, #tpu.memory_space<vmem>>) target(%dma_start3A_340 : memref<128x128xf32, #tpu.memory_space<vmem_shared>>) target_semaphore(%arg10 : memref<!tpu.dma_semaphore, #tpu.memory_space<semaphore_mem>>)
      %add3A_345 = arith.constant 512 : i32
      %add3A_346 = arith.addi %mul3A_32, %add3A_345 : i32
      %dma_start3A_347 = arith.constant 1 : i32
      %dma_start3A_348 = arith.constant 0 : i32
      %dma_start3A_349 = arith.constant 0 : i32
      %dma_start3A_350 = tpu.memref_slice %arg6[%dma_start3A_347, %dma_start3A_348, %dma_start3A_349] : memref<2x128x128xf32, #tpu.memory_space<vmem>> -> memref<1x128x128xf32, #tpu.memory_space<vmem>>
      %dma_start3A_351 = tpu.memref_squeeze %dma_start3A_350 : memref<1x128x128xf32, #tpu.memory_space<vmem>> -> memref<128x128xf32, #tpu.memory_space<vmem>>
      %dma_start3A_352 = arith.constant 0 : i32
      %dma_start3A_353 = tpu.memref_slice %arg8[%add3A_346, %dma_start3A_352] : memref<10240x128xf32, #tpu.memory_space<vmem_shared>> -> memref<128x128xf32, #tpu.memory_space<vmem_shared>>
      %dma_start3A_354 = arith.constant 0 : i32
      %dma_start3A_355 = tpu.memref_slice %arg8[%add3A_346, %dma_start3A_354] : memref<10240x128xf32, #tpu.memory_space<vmem_shared>> -> memref<128x128xf32, #tpu.memory_space<vmem_shared>>
      %dma_start3A_356 = arith.constant 0 : i32
      %dma_start3A_357 = arith.constant 0 : i32
      %dma_start3A_358 = tpu.memref_slice %arg6[%dma_start3A_347, %dma_start3A_356, %dma_start3A_357] : memref<2x128x128xf32, #tpu.memory_space<vmem>> -> memref<1x128x128xf32, #tpu.memory_space<vmem>>
      %dma_start3A_359 = tpu.memref_squeeze %dma_start3A_358 : memref<1x128x128xf32, #tpu.memory_space<vmem>> -> memref<128x128xf32, #tpu.memory_space<vmem>>
      tpu.enqueue_dma source(%dma_start3A_359 : memref<128x128xf32, #tpu.memory_space<vmem>>) target(%dma_start3A_355 : memref<128x128xf32, #tpu.memory_space<vmem_shared>>) target_semaphore(%arg10 : memref<!tpu.dma_semaphore, #tpu.memory_space<semaphore_mem>>)
      %add3A_360 = arith.constant 0 : i32
      %add3A_361 = arith.addi %mul3A_32, %add3A_360 : i32
      %dma_wait3A_362 = arith.constant 1 : i32
      %dma_wait3A_363 = arith.constant 0 : i32
      %dma_wait3A_364 = arith.constant 0 : i32
      %dma_wait3A_365 = tpu.memref_slice %arg6[%dma_wait3A_362, %dma_wait3A_363, %dma_wait3A_364] : memref<2x128x128xf32, #tpu.memory_space<vmem>> -> memref<1x128x128xf32, #tpu.memory_space<vmem>>
      %dma_wait3A_366 = tpu.memref_squeeze %dma_wait3A_365 : memref<1x128x128xf32, #tpu.memory_space<vmem>> -> memref<128x128xf32, #tpu.memory_space<vmem>>
      %dma_wait3A_367 = arith.constant 0 : i32
      %dma_wait3A_368 = tpu.memref_slice %arg8[%add3A_361, %dma_wait3A_367] : memref<10240x128xf32, #tpu.memory_space<vmem_shared>> -> memref<128x128xf32, #tpu.memory_space<vmem_shared>>
      %dma_wait3A_369 = arith.constant 0 : i32
      %dma_wait3A_370 = tpu.memref_slice %arg8[%add3A_361, %dma_wait3A_369] : memref<10240x128xf32, #tpu.memory_space<vmem_shared>> -> memref<128x128xf32, #tpu.memory_space<vmem_shared>>
      %dma_wait3A_371 = arith.constant 0 : i32
      %dma_wait3A_372 = arith.constant 0 : i32
      %dma_wait3A_373 = tpu.memref_slice %arg6[%dma_wait3A_362, %dma_wait3A_371, %dma_wait3A_372] : memref<2x128x128xf32, #tpu.memory_space<vmem>> -> memref<1x128x128xf32, #tpu.memory_space<vmem>>
      %dma_wait3A_374 = tpu.memref_squeeze %dma_wait3A_373 : memref<1x128x128xf32, #tpu.memory_space<vmem>> -> memref<128x128xf32, #tpu.memory_space<vmem>>
      tpu.wait_dma2 semaphore(%arg10 : memref<!tpu.dma_semaphore, #tpu.memory_space<semaphore_mem>>) src(%dma_wait3A_374 : memref<128x128xf32, #tpu.memory_space<vmem>>) dst(%dma_wait3A_370 : memref<128x128xf32, #tpu.memory_space<vmem_shared>>)
      %add3A_375 = arith.constant 128 : i32
      %add3A_376 = arith.addi %mul3A_32, %add3A_375 : i32
      %dma_wait3A_377 = arith.constant 1 : i32
      %dma_wait3A_378 = arith.constant 0 : i32
      %dma_wait3A_379 = arith.constant 0 : i32
      %dma_wait3A_380 = tpu.memref_slice %arg6[%dma_wait3A_377, %dma_wait3A_378, %dma_wait3A_379] : memref<2x128x128xf32, #tpu.memory_space<vmem>> -> memref<1x128x128xf32, #tpu.memory_space<vmem>>
      %dma_wait3A_381 = tpu.memref_squeeze %dma_wait3A_380 : memref<1x128x128xf32, #tpu.memory_space<vmem>> -> memref<128x128xf32, #tpu.memory_space<vmem>>
      %dma_wait3A_382 = arith.constant 0 : i32
      %dma_wait3A_383 = tpu.memref_slice %arg8[%add3A_376, %dma_wait3A_382] : memref<10240x128xf32, #tpu.memory_space<vmem_shared>> -> memref<128x128xf32, #tpu.memory_space<vmem_shared>>
      %dma_wait3A_384 = arith.constant 0 : i32
      %dma_wait3A_385 = tpu.memref_slice %arg8[%add3A_376, %dma_wait3A_384] : memref<10240x128xf32, #tpu.memory_space<vmem_shared>> -> memref<128x128xf32, #tpu.memory_space<vmem_shared>>
      %dma_wait3A_386 = arith.constant 0 : i32
      %dma_wait3A_387 = arith.constant 0 : i32
      %dma_wait3A_388 = tpu.memref_slice %arg6[%dma_wait3A_377, %dma_wait3A_386, %dma_wait3A_387] : memref<2x128x128xf32, #tpu.memory_space<vmem>> -> memref<1x128x128xf32, #tpu.memory_space<vmem>>
      %dma_wait3A_389 = tpu.memref_squeeze %dma_wait3A_388 : memref<1x128x128xf32, #tpu.memory_space<vmem>> -> memref<128x128xf32, #tpu.memory_space<vmem>>
      tpu.wait_dma2 semaphore(%arg10 : memref<!tpu.dma_semaphore, #tpu.memory_space<semaphore_mem>>) src(%dma_wait3A_389 : memref<128x128xf32, #tpu.memory_space<vmem>>) dst(%dma_wait3A_385 : memref<128x128xf32, #tpu.memory_space<vmem_shared>>)
      %add3A_390 = arith.constant 256 : i32
      %add3A_391 = arith.addi %mul3A_32, %add3A_390 : i32
      %dma_wait3A_392 = arith.constant 1 : i32
      %dma_wait3A_393 = arith.constant 0 : i32
      %dma_wait3A_394 = arith.constant 0 : i32
      %dma_wait3A_395 = tpu.memref_slice %arg6[%dma_wait3A_392, %dma_wait3A_393, %dma_wait3A_394] : memref<2x128x128xf32, #tpu.memory_space<vmem>> -> memref<1x128x128xf32, #tpu.memory_space<vmem>>
      %dma_wait3A_396 = tpu.memref_squeeze %dma_wait3A_395 : memref<1x128x128xf32, #tpu.memory_space<vmem>> -> memref<128x128xf32, #tpu.memory_space<vmem>>
      %dma_wait3A_397 = arith.constant 0 : i32
      %dma_wait3A_398 = tpu.memref_slice %arg8[%add3A_391, %dma_wait3A_397] : memref<10240x128xf32, #tpu.memory_space<vmem_shared>> -> memref<128x128xf32, #tpu.memory_space<vmem_shared>>
      %dma_wait3A_399 = arith.constant 0 : i32
      %dma_wait3A_400 = tpu.memref_slice %arg8[%add3A_391, %dma_wait3A_399] : memref<10240x128xf32, #tpu.memory_space<vmem_shared>> -> memref<128x128xf32, #tpu.memory_space<vmem_shared>>
      %dma_wait3A_401 = arith.constant 0 : i32
      %dma_wait3A_402 = arith.constant 0 : i32
      %dma_wait3A_403 = tpu.memref_slice %arg6[%dma_wait3A_392, %dma_wait3A_401, %dma_wait3A_402] : memref<2x128x128xf32, #tpu.memory_space<vmem>> -> memref<1x128x128xf32, #tpu.memory_space<vmem>>
      %dma_wait3A_404 = tpu.memref_squeeze %dma_wait3A_403 : memref<1x128x128xf32, #tpu.memory_space<vmem>> -> memref<128x128xf32, #tpu.memory_space<vmem>>
      tpu.wait_dma2 semaphore(%arg10 : memref<!tpu.dma_semaphore, #tpu.memory_space<semaphore_mem>>) src(%dma_wait3A_404 : memref<128x128xf32, #tpu.memory_space<vmem>>) dst(%dma_wait3A_400 : memref<128x128xf32, #tpu.memory_space<vmem_shared>>)
      %add3A_405 = arith.constant 384 : i32
      %add3A_406 = arith.addi %mul3A_32, %add3A_405 : i32
      %dma_wait3A_407 = arith.constant 1 : i32
      %dma_wait3A_408 = arith.constant 0 : i32
      %dma_wait3A_409 = arith.constant 0 : i32
      %dma_wait3A_410 = tpu.memref_slice %arg6[%dma_wait3A_407, %dma_wait3A_408, %dma_wait3A_409] : memref<2x128x128xf32, #tpu.memory_space<vmem>> -> memref<1x128x128xf32, #tpu.memory_space<vmem>>
      %dma_wait3A_411 = tpu.memref_squeeze %dma_wait3A_410 : memref<1x128x128xf32, #tpu.memory_space<vmem>> -> memref<128x128xf32, #tpu.memory_space<vmem>>
      %dma_wait3A_412 = arith.constant 0 : i32
      %dma_wait3A_413 = tpu.memref_slice %arg8[%add3A_406, %dma_wait3A_412] : memref<10240x128xf32, #tpu.memory_space<vmem_shared>> -> memref<128x128xf32, #tpu.memory_space<vmem_shared>>
      %dma_wait3A_414 = arith.constant 0 : i32
      %dma_wait3A_415 = tpu.memref_slice %arg8[%add3A_406, %dma_wait3A_414] : memref<10240x128xf32, #tpu.memory_space<vmem_shared>> -> memref<128x128xf32, #tpu.memory_space<vmem_shared>>
      %dma_wait3A_416 = arith.constant 0 : i32
      %dma_wait3A_417 = arith.constant 0 : i32
      %dma_wait3A_418 = tpu.memref_slice %arg6[%dma_wait3A_407, %dma_wait3A_416, %dma_wait3A_417] : memref<2x128x128xf32, #tpu.memory_space<vmem>> -> memref<1x128x128xf32, #tpu.memory_space<vmem>>
      %dma_wait3A_419 = tpu.memref_squeeze %dma_wait3A_418 : memref<1x128x128xf32, #tpu.memory_space<vmem>> -> memref<128x128xf32, #tpu.memory_space<vmem>>
      tpu.wait_dma2 semaphore(%arg10 : memref<!tpu.dma_semaphore, #tpu.memory_space<semaphore_mem>>) src(%dma_wait3A_419 : memref<128x128xf32, #tpu.memory_space<vmem>>) dst(%dma_wait3A_415 : memref<128x128xf32, #tpu.memory_space<vmem_shared>>)
      %add3A_420 = arith.constant 512 : i32
      %add3A_421 = arith.addi %mul3A_32, %add3A_420 : i32
      %dma_wait3A_422 = arith.constant 1 : i32
      %dma_wait3A_423 = arith.constant 0 : i32
      %dma_wait3A_424 = arith.constant 0 : i32
      %dma_wait3A_425 = tpu.memref_slice %arg6[%dma_wait3A_422, %dma_wait3A_423, %dma_wait3A_424] : memref<2x128x128xf32, #tpu.memory_space<vmem>> -> memref<1x128x128xf32, #tpu.memory_space<vmem>>
      %dma_wait3A_426 = tpu.memref_squeeze %dma_wait3A_425 : memref<1x128x128xf32, #tpu.memory_space<vmem>> -> memref<128x128xf32, #tpu.memory_space<vmem>>
      %dma_wait3A_427 = arith.constant 0 : i32
      %dma_wait3A_428 = tpu.memref_slice %arg8[%add3A_421, %dma_wait3A_427] : memref<10240x128xf32, #tpu.memory_space<vmem_shared>> -> memref<128x128xf32, #tpu.memory_space<vmem_shared>>
      %dma_wait3A_429 = arith.constant 0 : i32
      %dma_wait3A_430 = tpu.memref_slice %arg8[%add3A_421, %dma_wait3A_429] : memref<10240x128xf32, #tpu.memory_space<vmem_shared>> -> memref<128x128xf32, #tpu.memory_space<vmem_shared>>
      %dma_wait3A_431 = arith.constant 0 : i32
      %dma_wait3A_432 = arith.constant 0 : i32
      %dma_wait3A_433 = tpu.memref_slice %arg6[%dma_wait3A_422, %dma_wait3A_431, %dma_wait3A_432] : memref<2x128x128xf32, #tpu.memory_space<vmem>> -> memref<1x128x128xf32, #tpu.memory_space<vmem>>
      %dma_wait3A_434 = tpu.memref_squeeze %dma_wait3A_433 : memref<1x128x128xf32, #tpu.memory_space<vmem>> -> memref<128x128xf32, #tpu.memory_space<vmem>>
      tpu.wait_dma2 semaphore(%arg10 : memref<!tpu.dma_semaphore, #tpu.memory_space<semaphore_mem>>) src(%dma_wait3A_434 : memref<128x128xf32, #tpu.memory_space<vmem>>) dst(%dma_wait3A_430 : memref<128x128xf32, #tpu.memory_space<vmem_shared>>)
    } else {
    }
    %barrier3A = arith.constant 0 : index
    tpu.barrier barrier_id(%barrier3A)
    %dma_wait3A = arith.constant 0 : i32
    %dma_wait3A_39 = arith.constant 0 : i32
    %dma_wait3A_40 = tpu.memref_slice %arg5[%dma_wait3A, %dma_wait3A_39] : memref<8x128xi32, #tpu.memory_space<vmem>> -> memref<2x128xi32, #tpu.memory_space<vmem>>
    %dma_wait3A_41 = arith.constant 0 : i32
    %dma_wait3A_42 = tpu.memref_slice %arg3[%dma_wait3A_41, %mul3A_2] : memref<2x320000xi32, #tpu.memory_space<hbm>> -> memref<2x128xi32, #tpu.memory_space<hbm>>
    %dma_wait3A_43 = arith.constant 0 : i32
    %dma_wait3A_44 = arith.constant 0 : i32
    %dma_wait3A_45 = tpu.memref_slice %arg5[%dma_wait3A_43, %dma_wait3A_44] : memref<8x128xi32, #tpu.memory_space<vmem>> -> memref<2x128xi32, #tpu.memory_space<vmem>>
    %dma_wait3A_46 = arith.constant 0 : i32
    %dma_wait3A_47 = tpu.memref_slice %arg3[%dma_wait3A_46, %mul3A_2] : memref<2x320000xi32, #tpu.memory_space<hbm>> -> memref<2x128xi32, #tpu.memory_space<hbm>>
    tpu.wait_dma2 semaphore(%arg9 : memref<!tpu.dma_semaphore, #tpu.memory_space<semaphore_mem>>) src(%dma_wait3A_47 : memref<2x128xi32, #tpu.memory_space<hbm>>) dst(%dma_wait3A_45 : memref<2x128xi32, #tpu.memory_space<vmem>>)
    %rem3A_48 = arith.constant 0 : i32
    %rem3A_49 = arith.constant 4 : i32
    %rem3A_50 = arith.remsi %rem3A_48, %rem3A_49 : i32
    %mul3A_51 = arith.constant 2 : i32
    %mul3A_52 = arith.muli %mul3A_51, %rem3A_50 : i32
    %dma_start3A_53 = arith.constant 0 : i32
    %dma_start3A_54 = arith.constant 0 : i32
    %dma_start3A_55 = arith.constant 0 : i32
    %dma_start3A_56 = tpu.memref_slice %arg6[%dma_start3A_53, %dma_start3A_54, %dma_start3A_55] : memref<2x128x128xf32, #tpu.memory_space<vmem>> -> memref<1x128x128xf32, #tpu.memory_space<vmem>>
    %dma_start3A_57 = tpu.memref_squeeze %dma_start3A_56 : memref<1x128x128xf32, #tpu.memory_space<vmem>> -> memref<128x128xf32, #tpu.memory_space<vmem>>
    %dma_start3A_58 = arith.constant 0 : i32
    %dma_start3A_59 = tpu.memref_slice %arg5[%mul3A_52, %dma_start3A_58] : memref<8x128xi32, #tpu.memory_space<vmem>> -> memref<1x128xi32, #tpu.memory_space<vmem>>
    %dma_start3A_60 = tpu.memref_squeeze %dma_start3A_59 : memref<1x128xi32, #tpu.memory_space<vmem>> -> memref<128xi32, #tpu.memory_space<vmem>>
    %dma_start3A_61 = arith.constant 0 : i32
    %dma_start3A_62 = arith.constant 0 : i32
    %dma_start3A_63 = tpu.memref_slice %arg2[%dma_start3A_61, %dma_start3A_62] : memref<10240x128xf32, #tpu.memory_space<hbm>> -> memref<10240x128xf32, #tpu.memory_space<hbm>>
    tpu.enqueue_indirect_dma source(%dma_start3A_63 : memref<10240x128xf32, #tpu.memory_space<hbm>>) target(%dma_start3A_57 : memref<128x128xf32, #tpu.memory_space<vmem>>) offsets(%dma_start3A_60 : memref<128xi32, #tpu.memory_space<vmem>>) semaphore(%arg10 : memref<!tpu.dma_semaphore, #tpu.memory_space<semaphore_mem>>)
    %dma_wait3A_64 = arith.constant 0 : i32
    %dma_wait3A_65 = arith.constant 0 : i32
    %dma_wait3A_66 = arith.constant 0 : i32
    %dma_wait3A_67 = arith.constant 0 : i32
    %dma_wait3A_68 = tpu.memref_slice %arg6[%dma_wait3A_65, %dma_wait3A_66, %dma_wait3A_67] : memref<2x128x128xf32, #tpu.memory_space<vmem>> -> memref<1x128x128xf32, #tpu.memory_space<vmem>>
    %dma_wait3A_69 = tpu.memref_squeeze %dma_wait3A_68 : memref<1x128x128xf32, #tpu.memory_space<vmem>> -> memref<128x128xf32, #tpu.memory_space<vmem>>
    %dma_wait3A_70 = arith.constant 0 : i32
    %dma_wait3A_71 = tpu.memref_slice %arg5[%dma_wait3A_64, %dma_wait3A_70] : memref<8x128xi32, #tpu.memory_space<vmem>> -> memref<1x128xi32, #tpu.memory_space<vmem>>
    %dma_wait3A_72 = tpu.memref_squeeze %dma_wait3A_71 : memref<1x128xi32, #tpu.memory_space<vmem>> -> memref<128xi32, #tpu.memory_space<vmem>>
    %dma_wait3A_73 = arith.constant 0 : i32
    %dma_wait3A_74 = arith.constant 0 : i32
    %dma_wait3A_75 = tpu.memref_slice %arg2[%dma_wait3A_73, %dma_wait3A_74] : memref<10240x128xf32, #tpu.memory_space<hbm>> -> memref<10240x128xf32, #tpu.memory_space<hbm>>
    tpu.wait_indirect_dma semaphore(%arg10 : memref<!tpu.dma_semaphore, #tpu.memory_space<semaphore_mem>>) src(%dma_wait3A_75 : memref<10240x128xf32, #tpu.memory_space<hbm>>) dst(%dma_wait3A_69 : memref<128x128xf32, #tpu.memory_space<vmem>>)
    %rem3A_76 = arith.constant 0 : i32
    %rem3A_77 = arith.constant 4 : i32
    %rem3A_78 = arith.remsi %rem3A_76, %rem3A_77 : i32
    %mul3A_79 = arith.constant 2 : i32
    %mul3A_80 = arith.muli %mul3A_79, %rem3A_78 : i32
    %add3A_81 = arith.constant 1 : i32
    %add3A_82 = arith.addi %mul3A_80, %add3A_81 : i32
    %dma_start3A_83 = arith.constant 0 : i32
    %dma_start3A_84 = arith.constant 0 : i32
    %dma_start3A_85 = arith.constant 0 : i32
    %dma_start3A_86 = tpu.memref_slice %arg6[%dma_start3A_83, %dma_start3A_84, %dma_start3A_85] : memref<2x128x128xf32, #tpu.memory_space<vmem>> -> memref<1x128x128xf32, #tpu.memory_space<vmem>>
    %dma_start3A_87 = tpu.memref_squeeze %dma_start3A_86 : memref<1x128x128xf32, #tpu.memory_space<vmem>> -> memref<128x128xf32, #tpu.memory_space<vmem>>
    %dma_start3A_88 = arith.constant 0 : i32
    %dma_start3A_89 = tpu.memref_slice %arg5[%add3A_82, %dma_start3A_88] : memref<8x128xi32, #tpu.memory_space<vmem>> -> memref<1x128xi32, #tpu.memory_space<vmem>>
    %dma_start3A_90 = tpu.memref_squeeze %dma_start3A_89 : memref<1x128xi32, #tpu.memory_space<vmem>> -> memref<128xi32, #tpu.memory_space<vmem>>
    %dma_start3A_91 = arith.constant 0 : i32
    %dma_start3A_92 = arith.constant 0 : i32
    %dma_start3A_93 = tpu.memref_slice %arg8[%dma_start3A_91, %dma_start3A_92] : memref<10240x128xf32, #tpu.memory_space<vmem_shared>> -> memref<10240x128xf32, #tpu.memory_space<vmem_shared>>
    tpu.enqueue_indirect_dma source(%dma_start3A_87 : memref<128x128xf32, #tpu.memory_space<vmem>>) target(%dma_start3A_93 : memref<10240x128xf32, #tpu.memory_space<vmem_shared>>) offsets(%dma_start3A_90 : memref<128xi32, #tpu.memory_space<vmem>>) semaphore(%arg11 : memref<!tpu.dma_semaphore, #tpu.memory_space<semaphore_mem>>) {add = true}
    %rem3A_94 = arith.constant 2 : i32
    %rem3A_95 = arith.constant 4 : i32
    %rem3A_96 = arith.remsi %rem3A_94, %rem3A_95 : i32
    %add3A_97 = arith.constant 256 : i32
    %add3A_98 = arith.addi %mul3A_2, %add3A_97 : i32
    %mul3A_99 = arith.constant 2 : i32
    %mul3A_100 = arith.muli %mul3A_99, %rem3A_96 : i32
    %dma_start3A_101 = arith.constant 0 : i32
    %dma_start3A_102 = tpu.memref_slice %arg5[%mul3A_100, %dma_start3A_101] : memref<8x128xi32, #tpu.memory_space<vmem>> -> memref<2x128xi32, #tpu.memory_space<vmem>>
    %dma_start3A_103 = arith.constant 0 : i32
    %dma_start3A_104 = tpu.memref_slice %arg3[%dma_start3A_103, %add3A_98] : memref<2x320000xi32, #tpu.memory_space<hbm>> -> memref<2x128xi32, #tpu.memory_space<hbm>>
    %dma_start3A_105 = arith.constant 0 : i32
    %dma_start3A_106 = tpu.memref_slice %arg5[%mul3A_100, %dma_start3A_105] : memref<8x128xi32, #tpu.memory_space<vmem>> -> memref<2x128xi32, #tpu.memory_space<vmem>>
    %dma_start3A_107 = arith.constant 0 : i32
    %dma_start3A_108 = tpu.memref_slice %arg3[%dma_start3A_107, %add3A_98] : memref<2x320000xi32, #tpu.memory_space<hbm>> -> memref<2x128xi32, #tpu.memory_space<hbm>>
    tpu.enqueue_dma source(%dma_start3A_108 : memref<2x128xi32, #tpu.memory_space<hbm>>) target(%dma_start3A_106 : memref<2x128xi32, #tpu.memory_space<vmem>>) target_semaphore(%arg9 : memref<!tpu.dma_semaphore, #tpu.memory_space<semaphore_mem>>)
    %dma_wait3A_109 = arith.constant 0 : i32
    %dma_wait3A_110 = arith.constant 0 : i32
    %dma_wait3A_111 = tpu.memref_slice %arg5[%dma_wait3A_109, %dma_wait3A_110] : memref<8x128xi32, #tpu.memory_space<vmem>> -> memref<2x128xi32, #tpu.memory_space<vmem>>
    %dma_wait3A_112 = arith.constant 0 : i32
    %dma_wait3A_113 = tpu.memref_slice %arg3[%dma_wait3A_112, %mul3A_2] : memref<2x320000xi32, #tpu.memory_space<hbm>> -> memref<2x128xi32, #tpu.memory_space<hbm>>
    %dma_wait3A_114 = arith.constant 0 : i32
    %dma_wait3A_115 = arith.constant 0 : i32
    %dma_wait3A_116 = tpu.memref_slice %arg5[%dma_wait3A_114, %dma_wait3A_115] : memref<8x128xi32, #tpu.memory_space<vmem>> -> memref<2x128xi32, #tpu.memory_space<vmem>>
    %dma_wait3A_117 = arith.constant 0 : i32
    %dma_wait3A_118 = tpu.memref_slice %arg3[%dma_wait3A_117, %mul3A_2] : memref<2x320000xi32, #tpu.memory_space<hbm>> -> memref<2x128xi32, #tpu.memory_space<hbm>>
    tpu.wait_dma2 semaphore(%arg9 : memref<!tpu.dma_semaphore, #tpu.memory_space<semaphore_mem>>) src(%dma_wait3A_118 : memref<2x128xi32, #tpu.memory_space<hbm>>) dst(%dma_wait3A_116 : memref<2x128xi32, #tpu.memory_space<vmem>>)
    %rem3A_119 = arith.constant 1 : i32
    %rem3A_120 = arith.constant 4 : i32
    %rem3A_121 = arith.remsi %rem3A_119, %rem3A_120 : i32
    %mul3A_122 = arith.constant 2 : i32
    %mul3A_123 = arith.muli %mul3A_122, %rem3A_121 : i32
    %dma_start3A_124 = arith.constant 1 : i32
    %dma_start3A_125 = arith.constant 0 : i32
    %dma_start3A_126 = arith.constant 0 : i32
    %dma_start3A_127 = tpu.memref_slice %arg6[%dma_start3A_124, %dma_start3A_125, %dma_start3A_126] : memref<2x128x128xf32, #tpu.memory_space<vmem>> -> memref<1x128x128xf32, #tpu.memory_space<vmem>>
    %dma_start3A_128 = tpu.memref_squeeze %dma_start3A_127 : memref<1x128x128xf32, #tpu.memory_space<vmem>> -> memref<128x128xf32, #tpu.memory_space<vmem>>
    %dma_start3A_129 = arith.constant 0 : i32
    %dma_start3A_130 = tpu.memref_slice %arg5[%mul3A_123, %dma_start3A_129] : memref<8x128xi32, #tpu.memory_space<vmem>> -> memref<1x128xi32, #tpu.memory_space<vmem>>
    %dma_start3A_131 = tpu.memref_squeeze %dma_start3A_130 : memref<1x128xi32, #tpu.memory_space<vmem>> -> memref<128xi32, #tpu.memory_space<vmem>>
    %dma_start3A_132 = arith.constant 0 : i32
    %dma_start3A_133 = arith.constant 0 : i32
    %dma_start3A_134 = tpu.memref_slice %arg2[%dma_start3A_132, %dma_start3A_133] : memref<10240x128xf32, #tpu.memory_space<hbm>> -> memref<10240x128xf32, #tpu.memory_space<hbm>>
    tpu.enqueue_indirect_dma source(%dma_start3A_134 : memref<10240x128xf32, #tpu.memory_space<hbm>>) target(%dma_start3A_128 : memref<128x128xf32, #tpu.memory_space<vmem>>) offsets(%dma_start3A_131 : memref<128xi32, #tpu.memory_space<vmem>>) semaphore(%arg10 : memref<!tpu.dma_semaphore, #tpu.memory_space<semaphore_mem>>)
    %scan3A = arith.constant 0 : i32
    %scan3A_135 = arith.constant 1 : i32
    %scan3A_136 = arith.constant 75 : i32
    %scan3A_137 = arith.addi %scan3A_135, %scan3A_136 : i32
    %scan3A_138 = arith.constant 1 : i32
    %scan3A_139 = scf.for %scan3A_278 = %scan3A_135 to %scan3A_137 step %scan3A_138 iter_args(%scan3A_279 = %scan3A) -> (i32)  : i32 {
      %rem3A_280 = arith.constant 2 : i32
      %rem3A_281 = arith.remsi %scan3A_278, %rem3A_280 : i32
      %dma_wait3A_282 = arith.constant 0 : i32
      %dma_wait3A_283 = arith.constant 0 : i32
      %dma_wait3A_284 = arith.constant 0 : i32
      %dma_wait3A_285 = arith.constant 0 : i32
      %dma_wait3A_286 = tpu.memref_slice %arg6[%dma_wait3A_283, %dma_wait3A_284, %dma_wait3A_285] : memref<2x128x128xf32, #tpu.memory_space<vmem>> -> memref<1x128x128xf32, #tpu.memory_space<vmem>>
      %dma_wait3A_287 = tpu.memref_squeeze %dma_wait3A_286 : memref<1x128x128xf32, #tpu.memory_space<vmem>> -> memref<128x128xf32, #tpu.memory_space<vmem>>
      %dma_wait3A_288 = arith.constant 0 : i32
      %dma_wait3A_289 = tpu.memref_slice %arg5[%dma_wait3A_282, %dma_wait3A_288] : memref<8x128xi32, #tpu.memory_space<vmem>> -> memref<1x128xi32, #tpu.memory_space<vmem>>
      %dma_wait3A_290 = tpu.memref_squeeze %dma_wait3A_289 : memref<1x128xi32, #tpu.memory_space<vmem>> -> memref<128xi32, #tpu.memory_space<vmem>>
      %dma_wait3A_291 = arith.constant 0 : i32
      %dma_wait3A_292 = arith.constant 0 : i32
      %dma_wait3A_293 = tpu.memref_slice %arg2[%dma_wait3A_291, %dma_wait3A_292] : memref<10240x128xf32, #tpu.memory_space<hbm>> -> memref<10240x128xf32, #tpu.memory_space<hbm>>
      tpu.wait_indirect_dma semaphore(%arg10 : memref<!tpu.dma_semaphore, #tpu.memory_space<semaphore_mem>>) src(%dma_wait3A_293 : memref<10240x128xf32, #tpu.memory_space<hbm>>) dst(%dma_wait3A_287 : memref<128x128xf32, #tpu.memory_space<vmem>>)
      %rem3A_294 = arith.constant 4 : i32
      %rem3A_295 = arith.remsi %scan3A_278, %rem3A_294 : i32
      %mul3A_296 = arith.constant 2 : i32
      %mul3A_297 = arith.muli %mul3A_296, %rem3A_295 : i32
      %add3A_298 = arith.constant 1 : i32
      %add3A_299 = arith.addi %mul3A_297, %add3A_298 : i32
      %dma_start3A_300 = arith.constant 0 : i32
      %dma_start3A_301 = arith.constant 0 : i32
      %dma_start3A_302 = tpu.memref_slice %arg6[%rem3A_281, %dma_start3A_300, %dma_start3A_301] : memref<2x128x128xf32, #tpu.memory_space<vmem>> -> memref<1x128x128xf32, #tpu.memory_space<vmem>>
      %dma_start3A_303 = tpu.memref_squeeze %dma_start3A_302 : memref<1x128x128xf32, #tpu.memory_space<vmem>> -> memref<128x128xf32, #tpu.memory_space<vmem>>
      %dma_start3A_304 = arith.constant 0 : i32
      %dma_start3A_305 = tpu.memref_slice %arg5[%add3A_299, %dma_start3A_304] : memref<8x128xi32, #tpu.memory_space<vmem>> -> memref<1x128xi32, #tpu.memory_space<vmem>>
      %dma_start3A_306 = tpu.memref_squeeze %dma_start3A_305 : memref<1x128xi32, #tpu.memory_space<vmem>> -> memref<128xi32, #tpu.memory_space<vmem>>
      %dma_start3A_307 = arith.constant 0 : i32
      %dma_start3A_308 = arith.constant 0 : i32
      %dma_start3A_309 = tpu.memref_slice %arg8[%dma_start3A_307, %dma_start3A_308] : memref<10240x128xf32, #tpu.memory_space<vmem_shared>> -> memref<10240x128xf32, #tpu.memory_space<vmem_shared>>
      tpu.enqueue_indirect_dma source(%dma_start3A_303 : memref<128x128xf32, #tpu.memory_space<vmem>>) target(%dma_start3A_309 : memref<10240x128xf32, #tpu.memory_space<vmem_shared>>) offsets(%dma_start3A_306 : memref<128xi32, #tpu.memory_space<vmem>>) semaphore(%arg11 : memref<!tpu.dma_semaphore, #tpu.memory_space<semaphore_mem>>) {add = true}
      %dma_wait3A_310 = arith.constant 0 : i32
      %dma_wait3A_311 = arith.constant 1 : i32
      %dma_wait3A_312 = arith.constant 0 : i32
      %dma_wait3A_313 = arith.constant 0 : i32
      %dma_wait3A_314 = tpu.memref_slice %arg6[%dma_wait3A_310, %dma_wait3A_312, %dma_wait3A_313] : memref<2x128x128xf32, #tpu.memory_space<vmem>> -> memref<1x128x128xf32, #tpu.memory_space<vmem>>
      %dma_wait3A_315 = tpu.memref_squeeze %dma_wait3A_314 : memref<1x128x128xf32, #tpu.memory_space<vmem>> -> memref<128x128xf32, #tpu.memory_space<vmem>>
      %dma_wait3A_316 = arith.constant 0 : i32
      %dma_wait3A_317 = tpu.memref_slice %arg5[%dma_wait3A_311, %dma_wait3A_316] : memref<8x128xi32, #tpu.memory_space<vmem>> -> memref<1x128xi32, #tpu.memory_space<vmem>>
      %dma_wait3A_318 = tpu.memref_squeeze %dma_wait3A_317 : memref<1x128xi32, #tpu.memory_space<vmem>> -> memref<128xi32, #tpu.memory_space<vmem>>
      %dma_wait3A_319 = arith.constant 0 : i32
      %dma_wait3A_320 = arith.constant 0 : i32
      %dma_wait3A_321 = tpu.memref_slice %arg8[%dma_wait3A_319, %dma_wait3A_320] : memref<10240x128xf32, #tpu.memory_space<vmem_shared>> -> memref<10240x128xf32, #tpu.memory_space<vmem_shared>>
      tpu.wait_indirect_dma semaphore(%arg11 : memref<!tpu.dma_semaphore, #tpu.memory_space<semaphore_mem>>) src(%dma_wait3A_315 : memref<128x128xf32, #tpu.memory_space<vmem>>) dst(%dma_wait3A_321 : memref<10240x128xf32, #tpu.memory_space<vmem_shared>>)
      %add3A_322 = arith.constant 2 : i32
      %add3A_323 = arith.addi %scan3A_278, %add3A_322 : i32
      %rem3A_324 = arith.constant 4 : i32
      %rem3A_325 = arith.remsi %add3A_323, %rem3A_324 : i32
      %mul3A_326 = arith.constant 128 : i32
      %mul3A_327 = arith.muli %add3A_323, %mul3A_326 : i32
      %add3A_328 = arith.addi %mul3A_2, %mul3A_327 : i32
      %mul3A_329 = arith.constant 2 : i32
      %mul3A_330 = arith.muli %mul3A_329, %rem3A_325 : i32
      %dma_start3A_331 = arith.constant 0 : i32
      %dma_start3A_332 = tpu.memref_slice %arg5[%mul3A_330, %dma_start3A_331] : memref<8x128xi32, #tpu.memory_space<vmem>> -> memref<2x128xi32, #tpu.memory_space<vmem>>
      %dma_start3A_333 = arith.constant 0 : i32
      %dma_start3A_334 = tpu.memref_slice %arg3[%dma_start3A_333, %add3A_328] : memref<2x320000xi32, #tpu.memory_space<hbm>> -> memref<2x128xi32, #tpu.memory_space<hbm>>
      %dma_start3A_335 = arith.constant 0 : i32
      %dma_start3A_336 = tpu.memref_slice %arg5[%mul3A_330, %dma_start3A_335] : memref<8x128xi32, #tpu.memory_space<vmem>> -> memref<2x128xi32, #tpu.memory_space<vmem>>
      %dma_start3A_337 = arith.constant 0 : i32
      %dma_start3A_338 = tpu.memref_slice %arg3[%dma_start3A_337, %add3A_328] : memref<2x320000xi32, #tpu.memory_space<hbm>> -> memref<2x128xi32, #tpu.memory_space<hbm>>
      tpu.enqueue_dma source(%dma_start3A_338 : memref<2x128xi32, #tpu.memory_space<hbm>>) target(%dma_start3A_336 : memref<2x128xi32, #tpu.memory_space<vmem>>) target_semaphore(%arg9 : memref<!tpu.dma_semaphore, #tpu.memory_space<semaphore_mem>>)
      %dma_wait3A_339 = arith.constant 0 : i32
      %dma_wait3A_340 = arith.constant 0 : i32
      %dma_wait3A_341 = tpu.memref_slice %arg5[%dma_wait3A_339, %dma_wait3A_340] : memref<8x128xi32, #tpu.memory_space<vmem>> -> memref<2x128xi32, #tpu.memory_space<vmem>>
      %dma_wait3A_342 = arith.constant 0 : i32
      %dma_wait3A_343 = tpu.memref_slice %arg3[%dma_wait3A_342, %mul3A_2] : memref<2x320000xi32, #tpu.memory_space<hbm>> -> memref<2x128xi32, #tpu.memory_space<hbm>>
      %dma_wait3A_344 = arith.constant 0 : i32
      %dma_wait3A_345 = arith.constant 0 : i32
      %dma_wait3A_346 = tpu.memref_slice %arg5[%dma_wait3A_344, %dma_wait3A_345] : memref<8x128xi32, #tpu.memory_space<vmem>> -> memref<2x128xi32, #tpu.memory_space<vmem>>
      %dma_wait3A_347 = arith.constant 0 : i32
      %dma_wait3A_348 = tpu.memref_slice %arg3[%dma_wait3A_347, %mul3A_2] : memref<2x320000xi32, #tpu.memory_space<hbm>> -> memref<2x128xi32, #tpu.memory_space<hbm>>
      tpu.wait_dma2 semaphore(%arg9 : memref<!tpu.dma_semaphore, #tpu.memory_space<semaphore_mem>>) src(%dma_wait3A_348 : memref<2x128xi32, #tpu.memory_space<hbm>>) dst(%dma_wait3A_346 : memref<2x128xi32, #tpu.memory_space<vmem>>)
      %add3A_349 = arith.constant 1 : i32
      %add3A_350 = arith.addi %scan3A_278, %add3A_349 : i32
      %sub3A = arith.constant 1 : i32
      %sub3A_351 = arith.subi %sub3A, %rem3A_281 : i32
      %rem3A_352 = arith.constant 4 : i32
      %rem3A_353 = arith.remsi %add3A_350, %rem3A_352 : i32
      %mul3A_354 = arith.constant 2 : i32
      %mul3A_355 = arith.muli %mul3A_354, %rem3A_353 : i32
      %dma_start3A_356 = arith.constant 0 : i32
      %dma_start3A_357 = arith.constant 0 : i32
      %dma_start3A_358 = tpu.memref_slice %arg6[%sub3A_351, %dma_start3A_356, %dma_start3A_357] : memref<2x128x128xf32, #tpu.memory_space<vmem>> -> memref<1x128x128xf32, #tpu.memory_space<vmem>>
      %dma_start3A_359 = tpu.memref_squeeze %dma_start3A_358 : memref<1x128x128xf32, #tpu.memory_space<vmem>> -> memref<128x128xf32, #tpu.memory_space<vmem>>
      %dma_start3A_360 = arith.constant 0 : i32
      %dma_start3A_361 = tpu.memref_slice %arg5[%mul3A_355, %dma_start3A_360] : memref<8x128xi32, #tpu.memory_space<vmem>> -> memref<1x128xi32, #tpu.memory_space<vmem>>
      %dma_start3A_362 = tpu.memref_squeeze %dma_start3A_361 : memref<1x128xi32, #tpu.memory_space<vmem>> -> memref<128xi32, #tpu.memory_space<vmem>>
      %dma_start3A_363 = arith.constant 0 : i32
      %dma_start3A_364 = arith.constant 0 : i32
      %dma_start3A_365 = tpu.memref_slice %arg2[%dma_start3A_363, %dma_start3A_364] : memref<10240x128xf32, #tpu.memory_space<hbm>> -> memref<10240x128xf32, #tpu.memory_space<hbm>>
      tpu.enqueue_indirect_dma source(%dma_start3A_365 : memref<10240x128xf32, #tpu.memory_space<hbm>>) target(%dma_start3A_359 : memref<128x128xf32, #tpu.memory_space<vmem>>) offsets(%dma_start3A_362 : memref<128xi32, #tpu.memory_space<vmem>>) semaphore(%arg10 : memref<!tpu.dma_semaphore, #tpu.memory_space<semaphore_mem>>)
      %scan3A_366 = arith.constant 0 : i32
      scf.yield %scan3A_366 : i32
    }
    %scan3A_140 = arith.constant 75 : i32
    %dma_wait3A_141 = arith.constant 0 : i32
    %dma_wait3A_142 = arith.constant 0 : i32
    %dma_wait3A_143 = arith.constant 0 : i32
    %dma_wait3A_144 = arith.constant 0 : i32
    %dma_wait3A_145 = tpu.memref_slice %arg6[%dma_wait3A_142, %dma_wait3A_143, %dma_wait3A_144] : memref<2x128x128xf32, #tpu.memory_space<vmem>> -> memref<1x128x128xf32, #tpu.memory_space<vmem>>
    %dma_wait3A_146 = tpu.memref_squeeze %dma_wait3A_145 : memref<1x128x128xf32, #tpu.memory_space<vmem>> -> memref<128x128xf32, #tpu.memory_space<vmem>>
    %dma_wait3A_147 = arith.constant 0 : i32
    %dma_wait3A_148 = tpu.memref_slice %arg5[%dma_wait3A_141, %dma_wait3A_147] : memref<8x128xi32, #tpu.memory_space<vmem>> -> memref<1x128xi32, #tpu.memory_space<vmem>>
    %dma_wait3A_149 = tpu.memref_squeeze %dma_wait3A_148 : memref<1x128xi32, #tpu.memory_space<vmem>> -> memref<128xi32, #tpu.memory_space<vmem>>
    %dma_wait3A_150 = arith.constant 0 : i32
    %dma_wait3A_151 = arith.constant 0 : i32
    %dma_wait3A_152 = tpu.memref_slice %arg2[%dma_wait3A_150, %dma_wait3A_151] : memref<10240x128xf32, #tpu.memory_space<hbm>> -> memref<10240x128xf32, #tpu.memory_space<hbm>>
    tpu.wait_indirect_dma semaphore(%arg10 : memref<!tpu.dma_semaphore, #tpu.memory_space<semaphore_mem>>) src(%dma_wait3A_152 : memref<10240x128xf32, #tpu.memory_space<hbm>>) dst(%dma_wait3A_146 : memref<128x128xf32, #tpu.memory_space<vmem>>)
    %rem3A_153 = arith.constant 76 : i32
    %rem3A_154 = arith.constant 2 : i32
    %rem3A_155 = arith.remsi %rem3A_153, %rem3A_154 : i32
    %rem3A_156 = arith.constant 76 : i32
    %rem3A_157 = arith.constant 4 : i32
    %rem3A_158 = arith.remsi %rem3A_156, %rem3A_157 : i32
    %mul3A_159 = arith.constant 2 : i32
    %mul3A_160 = arith.muli %mul3A_159, %rem3A_158 : i32
    %add3A_161 = arith.constant 1 : i32
    %add3A_162 = arith.addi %mul3A_160, %add3A_161 : i32
    %dma_start3A_163 = arith.constant 0 : i32
    %dma_start3A_164 = arith.constant 0 : i32
    %dma_start3A_165 = tpu.memref_slice %arg6[%rem3A_155, %dma_start3A_163, %dma_start3A_164] : memref<2x128x128xf32, #tpu.memory_space<vmem>> -> memref<1x128x128xf32, #tpu.memory_space<vmem>>
    %dma_start3A_166 = tpu.memref_squeeze %dma_start3A_165 : memref<1x128x128xf32, #tpu.memory_space<vmem>> -> memref<128x128xf32, #tpu.memory_space<vmem>>
    %dma_start3A_167 = arith.constant 0 : i32
    %dma_start3A_168 = tpu.memref_slice %arg5[%add3A_162, %dma_start3A_167] : memref<8x128xi32, #tpu.memory_space<vmem>> -> memref<1x128xi32, #tpu.memory_space<vmem>>
    %dma_start3A_169 = tpu.memref_squeeze %dma_start3A_168 : memref<1x128xi32, #tpu.memory_space<vmem>> -> memref<128xi32, #tpu.memory_space<vmem>>
    %dma_start3A_170 = arith.constant 0 : i32
    %dma_start3A_171 = arith.constant 0 : i32
    %dma_start3A_172 = tpu.memref_slice %arg8[%dma_start3A_170, %dma_start3A_171] : memref<10240x128xf32, #tpu.memory_space<vmem_shared>> -> memref<10240x128xf32, #tpu.memory_space<vmem_shared>>
    tpu.enqueue_indirect_dma source(%dma_start3A_166 : memref<128x128xf32, #tpu.memory_space<vmem>>) target(%dma_start3A_172 : memref<10240x128xf32, #tpu.memory_space<vmem_shared>>) offsets(%dma_start3A_169 : memref<128xi32, #tpu.memory_space<vmem>>) semaphore(%arg11 : memref<!tpu.dma_semaphore, #tpu.memory_space<semaphore_mem>>) {add = true}
    %dma_wait3A_173 = arith.constant 0 : i32
    %dma_wait3A_174 = arith.constant 1 : i32
    %dma_wait3A_175 = arith.constant 0 : i32
    %dma_wait3A_176 = arith.constant 0 : i32
    %dma_wait3A_177 = tpu.memref_slice %arg6[%dma_wait3A_173, %dma_wait3A_175, %dma_wait3A_176] : memref<2x128x128xf32, #tpu.memory_space<vmem>> -> memref<1x128x128xf32, #tpu.memory_space<vmem>>
    %dma_wait3A_178 = tpu.memref_squeeze %dma_wait3A_177 : memref<1x128x128xf32, #tpu.memory_space<vmem>> -> memref<128x128xf32, #tpu.memory_space<vmem>>
    %dma_wait3A_179 = arith.constant 0 : i32
    %dma_wait3A_180 = tpu.memref_slice %arg5[%dma_wait3A_174, %dma_wait3A_179] : memref<8x128xi32, #tpu.memory_space<vmem>> -> memref<1x128xi32, #tpu.memory_space<vmem>>
    %dma_wait3A_181 = tpu.memref_squeeze %dma_wait3A_180 : memref<1x128xi32, #tpu.memory_space<vmem>> -> memref<128xi32, #tpu.memory_space<vmem>>
    %dma_wait3A_182 = arith.constant 0 : i32
    %dma_wait3A_183 = arith.constant 0 : i32
    %dma_wait3A_184 = tpu.memref_slice %arg8[%dma_wait3A_182, %dma_wait3A_183] : memref<10240x128xf32, #tpu.memory_space<vmem_shared>> -> memref<10240x128xf32, #tpu.memory_space<vmem_shared>>
    tpu.wait_indirect_dma semaphore(%arg11 : memref<!tpu.dma_semaphore, #tpu.memory_space<semaphore_mem>>) src(%dma_wait3A_178 : memref<128x128xf32, #tpu.memory_space<vmem>>) dst(%dma_wait3A_184 : memref<10240x128xf32, #tpu.memory_space<vmem_shared>>)
    %dma_wait3A_185 = arith.constant 0 : i32
    %dma_wait3A_186 = arith.constant 0 : i32
    %dma_wait3A_187 = tpu.memref_slice %arg5[%dma_wait3A_185, %dma_wait3A_186] : memref<8x128xi32, #tpu.memory_space<vmem>> -> memref<2x128xi32, #tpu.memory_space<vmem>>
    %dma_wait3A_188 = arith.constant 0 : i32
    %dma_wait3A_189 = tpu.memref_slice %arg3[%dma_wait3A_188, %mul3A_2] : memref<2x320000xi32, #tpu.memory_space<hbm>> -> memref<2x128xi32, #tpu.memory_space<hbm>>
    %dma_wait3A_190 = arith.constant 0 : i32
    %dma_wait3A_191 = arith.constant 0 : i32
    %dma_wait3A_192 = tpu.memref_slice %arg5[%dma_wait3A_190, %dma_wait3A_191] : memref<8x128xi32, #tpu.memory_space<vmem>> -> memref<2x128xi32, #tpu.memory_space<vmem>>
    %dma_wait3A_193 = arith.constant 0 : i32
    %dma_wait3A_194 = tpu.memref_slice %arg3[%dma_wait3A_193, %mul3A_2] : memref<2x320000xi32, #tpu.memory_space<hbm>> -> memref<2x128xi32, #tpu.memory_space<hbm>>
    tpu.wait_dma2 semaphore(%arg9 : memref<!tpu.dma_semaphore, #tpu.memory_space<semaphore_mem>>) src(%dma_wait3A_194 : memref<2x128xi32, #tpu.memory_space<hbm>>) dst(%dma_wait3A_192 : memref<2x128xi32, #tpu.memory_space<vmem>>)
    %rem3A_195 = arith.constant 77 : i32
    %rem3A_196 = arith.constant 2 : i32
    %rem3A_197 = arith.remsi %rem3A_195, %rem3A_196 : i32
    %rem3A_198 = arith.constant 77 : i32
    %rem3A_199 = arith.constant 4 : i32
    %rem3A_200 = arith.remsi %rem3A_198, %rem3A_199 : i32
    %mul3A_201 = arith.constant 2 : i32
    %mul3A_202 = arith.muli %mul3A_201, %rem3A_200 : i32
    %dma_start3A_203 = arith.constant 0 : i32
    %dma_start3A_204 = arith.constant 0 : i32
    %dma_start3A_205 = tpu.memref_slice %arg6[%rem3A_197, %dma_start3A_203, %dma_start3A_204] : memref<2x128x128xf32, #tpu.memory_space<vmem>> -> memref<1x128x128xf32, #tpu.memory_space<vmem>>
    %dma_start3A_206 = tpu.memref_squeeze %dma_start3A_205 : memref<1x128x128xf32, #tpu.memory_space<vmem>> -> memref<128x128xf32, #tpu.memory_space<vmem>>
    %dma_start3A_207 = arith.constant 0 : i32
    %dma_start3A_208 = tpu.memref_slice %arg5[%mul3A_202, %dma_start3A_207] : memref<8x128xi32, #tpu.memory_space<vmem>> -> memref<1x128xi32, #tpu.memory_space<vmem>>
    %dma_start3A_209 = tpu.memref_squeeze %dma_start3A_208 : memref<1x128xi32, #tpu.memory_space<vmem>> -> memref<128xi32, #tpu.memory_space<vmem>>
    %dma_start3A_210 = arith.constant 0 : i32
    %dma_start3A_211 = arith.constant 0 : i32
    %dma_start3A_212 = tpu.memref_slice %arg2[%dma_start3A_210, %dma_start3A_211] : memref<10240x128xf32, #tpu.memory_space<hbm>> -> memref<10240x128xf32, #tpu.memory_space<hbm>>
    tpu.enqueue_indirect_dma source(%dma_start3A_212 : memref<10240x128xf32, #tpu.memory_space<hbm>>) target(%dma_start3A_206 : memref<128x128xf32, #tpu.memory_space<vmem>>) offsets(%dma_start3A_209 : memref<128xi32, #tpu.memory_space<vmem>>) semaphore(%arg10 : memref<!tpu.dma_semaphore, #tpu.memory_space<semaphore_mem>>)
    %dma_wait3A_213 = arith.constant 0 : i32
    %dma_wait3A_214 = arith.constant 0 : i32
    %dma_wait3A_215 = arith.constant 0 : i32
    %dma_wait3A_216 = arith.constant 0 : i32
    %dma_wait3A_217 = tpu.memref_slice %arg6[%dma_wait3A_214, %dma_wait3A_215, %dma_wait3A_216] : memref<2x128x128xf32, #tpu.memory_space<vmem>> -> memref<1x128x128xf32, #tpu.memory_space<vmem>>
    %dma_wait3A_218 = tpu.memref_squeeze %dma_wait3A_217 : memref<1x128x128xf32, #tpu.memory_space<vmem>> -> memref<128x128xf32, #tpu.memory_space<vmem>>
    %dma_wait3A_219 = arith.constant 0 : i32
    %dma_wait3A_220 = tpu.memref_slice %arg5[%dma_wait3A_213, %dma_wait3A_219] : memref<8x128xi32, #tpu.memory_space<vmem>> -> memref<1x128xi32, #tpu.memory_space<vmem>>
    %dma_wait3A_221 = tpu.memref_squeeze %dma_wait3A_220 : memref<1x128xi32, #tpu.memory_space<vmem>> -> memref<128xi32, #tpu.memory_space<vmem>>
    %dma_wait3A_222 = arith.constant 0 : i32
    %dma_wait3A_223 = arith.constant 0 : i32
    %dma_wait3A_224 = tpu.memref_slice %arg2[%dma_wait3A_222, %dma_wait3A_223] : memref<10240x128xf32, #tpu.memory_space<hbm>> -> memref<10240x128xf32, #tpu.memory_space<hbm>>
    tpu.wait_indirect_dma semaphore(%arg10 : memref<!tpu.dma_semaphore, #tpu.memory_space<semaphore_mem>>) src(%dma_wait3A_224 : memref<10240x128xf32, #tpu.memory_space<hbm>>) dst(%dma_wait3A_218 : memref<128x128xf32, #tpu.memory_space<vmem>>)
    %rem3A_225 = arith.constant 77 : i32
    %rem3A_226 = arith.constant 2 : i32
    %rem3A_227 = arith.remsi %rem3A_225, %rem3A_226 : i32
    %rem3A_228 = arith.constant 77 : i32
    %rem3A_229 = arith.constant 4 : i32
    %rem3A_230 = arith.remsi %rem3A_228, %rem3A_229 : i32
    %mul3A_231 = arith.constant 2 : i32
    %mul3A_232 = arith.muli %mul3A_231, %rem3A_230 : i32
    %add3A_233 = arith.constant 1 : i32
    %add3A_234 = arith.addi %mul3A_232, %add3A_233 : i32
    %dma_start3A_235 = arith.constant 0 : i32
    %dma_start3A_236 = arith.constant 0 : i32
    %dma_start3A_237 = tpu.memref_slice %arg6[%rem3A_227, %dma_start3A_235, %dma_start3A_236] : memref<2x128x128xf32, #tpu.memory_space<vmem>> -> memref<1x128x128xf32, #tpu.memory_space<vmem>>
    %dma_start3A_238 = tpu.memref_squeeze %dma_start3A_237 : memref<1x128x128xf32, #tpu.memory_space<vmem>> -> memref<128x128xf32, #tpu.memory_space<vmem>>
    %dma_start3A_239 = arith.constant 0 : i32
    %dma_start3A_240 = tpu.memref_slice %arg5[%add3A_234, %dma_start3A_239] : memref<8x128xi32, #tpu.memory_space<vmem>> -> memref<1x128xi32, #tpu.memory_space<vmem>>
    %dma_start3A_241 = tpu.memref_squeeze %dma_start3A_240 : memref<1x128xi32, #tpu.memory_space<vmem>> -> memref<128xi32, #tpu.memory_space<vmem>>
    %dma_start3A_242 = arith.constant 0 : i32
    %dma_start3A_243 = arith.constant 0 : i32
    %dma_start3A_244 = tpu.memref_slice %arg8[%dma_start3A_242, %dma_start3A_243] : memref<10240x128xf32, #tpu.memory_space<vmem_shared>> -> memref<10240x128xf32, #tpu.memory_space<vmem_shared>>
    tpu.enqueue_indirect_dma source(%dma_start3A_238 : memref<128x128xf32, #tpu.memory_space<vmem>>) target(%dma_start3A_244 : memref<10240x128xf32, #tpu.memory_space<vmem_shared>>) offsets(%dma_start3A_241 : memref<128xi32, #tpu.memory_space<vmem>>) semaphore(%arg11 : memref<!tpu.dma_semaphore, #tpu.memory_space<semaphore_mem>>) {add = true}
    %dma_wait3A_245 = arith.constant 0 : i32
    %dma_wait3A_246 = arith.constant 1 : i32
    %dma_wait3A_247 = arith.constant 0 : i32
    %dma_wait3A_248 = arith.constant 0 : i32
    %dma_wait3A_249 = tpu.memref_slice %arg6[%dma_wait3A_245, %dma_wait3A_247, %dma_wait3A_248] : memref<2x128x128xf32, #tpu.memory_space<vmem>> -> memref<1x128x128xf32, #tpu.memory_space<vmem>>
    %dma_wait3A_250 = tpu.memref_squeeze %dma_wait3A_249 : memref<1x128x128xf32, #tpu.memory_space<vmem>> -> memref<128x128xf32, #tpu.memory_space<vmem>>
    %dma_wait3A_251 = arith.constant 0 : i32
    %dma_wait3A_252 = tpu.memref_slice %arg5[%dma_wait3A_246, %dma_wait3A_251] : memref<8x128xi32, #tpu.memory_space<vmem>> -> memref<1x128xi32, #tpu.memory_space<vmem>>
    %dma_wait3A_253 = tpu.memref_squeeze %dma_wait3A_252 : memref<1x128xi32, #tpu.memory_space<vmem>> -> memref<128xi32, #tpu.memory_space<vmem>>
    %dma_wait3A_254 = arith.constant 0 : i32
    %dma_wait3A_255 = arith.constant 0 : i32
    %dma_wait3A_256 = tpu.memref_slice %arg8[%dma_wait3A_254, %dma_wait3A_255] : memref<10240x128xf32, #tpu.memory_space<vmem_shared>> -> memref<10240x128xf32, #tpu.memory_space<vmem_shared>>
    tpu.wait_indirect_dma semaphore(%arg11 : memref<!tpu.dma_semaphore, #tpu.memory_space<semaphore_mem>>) src(%dma_wait3A_250 : memref<128x128xf32, #tpu.memory_space<vmem>>) dst(%dma_wait3A_256 : memref<10240x128xf32, #tpu.memory_space<vmem_shared>>)
    %dma_wait3A_257 = arith.constant 0 : i32
    %dma_wait3A_258 = arith.constant 1 : i32
    %dma_wait3A_259 = arith.constant 0 : i32
    %dma_wait3A_260 = arith.constant 0 : i32
    %dma_wait3A_261 = tpu.memref_slice %arg6[%dma_wait3A_257, %dma_wait3A_259, %dma_wait3A_260] : memref<2x128x128xf32, #tpu.memory_space<vmem>> -> memref<1x128x128xf32, #tpu.memory_space<vmem>>
    %dma_wait3A_262 = tpu.memref_squeeze %dma_wait3A_261 : memref<1x128x128xf32, #tpu.memory_space<vmem>> -> memref<128x128xf32, #tpu.memory_space<vmem>>
    %dma_wait3A_263 = arith.constant 0 : i32
    %dma_wait3A_264 = tpu.memref_slice %arg5[%dma_wait3A_258, %dma_wait3A_263] : memref<8x128xi32, #tpu.memory_space<vmem>> -> memref<1x128xi32, #tpu.memory_space<vmem>>
    %dma_wait3A_265 = tpu.memref_squeeze %dma_wait3A_264 : memref<1x128xi32, #tpu.memory_space<vmem>> -> memref<128xi32, #tpu.memory_space<vmem>>
    %dma_wait3A_266 = arith.constant 0 : i32
    %dma_wait3A_267 = arith.constant 0 : i32
    %dma_wait3A_268 = tpu.memref_slice %arg8[%dma_wait3A_266, %dma_wait3A_267] : memref<10240x128xf32, #tpu.memory_space<vmem_shared>> -> memref<10240x128xf32, #tpu.memory_space<vmem_shared>>
    tpu.wait_indirect_dma semaphore(%arg11 : memref<!tpu.dma_semaphore, #tpu.memory_space<semaphore_mem>>) src(%dma_wait3A_262 : memref<128x128xf32, #tpu.memory_space<vmem>>) dst(%dma_wait3A_268 : memref<10240x128xf32, #tpu.memory_space<vmem_shared>>)
    %lt3A = arith.constant 4 : i32
    %lt3A_269 = arith.cmpi slt, %add3A, %lt3A : i32
    %convert_element_type3A_270 = arith.extui %lt3A_269 : i1 to i32
    %cond3A_271 = arith.constant 0 : i32
    %cond3A_272 = arith.cmpi ne, %convert_element_type3A_270, %cond3A_271 : i32
    scf.if %cond3A_272 {
      %mul3A_278 = arith.constant 128 : i32
      %mul3A_279 = arith.muli %add3A, %mul3A_278 : i32
      %add3A_280 = arith.constant 319488 : i32
      %add3A_281 = arith.addi %add3A_280, %mul3A_279 : i32
      "tpu.region"() ({
        %run_scoped3A = tpu.sem_alloc : memref<!tpu.dma_semaphore, #tpu.memory_space<semaphore_mem>>
        %dma_start3A_330 = arith.constant 0 : i32
        %dma_start3A_331 = tpu.memref_slice %arg3[%dma_start3A_330, %add3A_281] : memref<2x320000xi32, #tpu.memory_space<hbm>> -> memref<2x128xi32, #tpu.memory_space<hbm>>
        %dma_start3A_332 = arith.constant 0 : i32
        %dma_start3A_333 = tpu.memref_slice %arg3[%dma_start3A_332, %add3A_281] : memref<2x320000xi32, #tpu.memory_space<hbm>> -> memref<2x128xi32, #tpu.memory_space<hbm>>
        tpu.enqueue_dma source(%dma_start3A_333 : memref<2x128xi32, #tpu.memory_space<hbm>>) target(%arg7 : memref<2x128xi32, #tpu.memory_space<vmem>>) target_semaphore(%run_scoped3A : memref<!tpu.dma_semaphore, #tpu.memory_space<semaphore_mem>>)
        %dma_wait3A_334 = arith.constant 0 : i32
        %dma_wait3A_335 = tpu.memref_slice %arg3[%dma_wait3A_334, %add3A_281] : memref<2x320000xi32, #tpu.memory_space<hbm>> -> memref<2x128xi32, #tpu.memory_space<hbm>>
        %dma_wait3A_336 = arith.constant 0 : i32
        %dma_wait3A_337 = tpu.memref_slice %arg3[%dma_wait3A_336, %add3A_281] : memref<2x320000xi32, #tpu.memory_space<hbm>> -> memref<2x128xi32, #tpu.memory_space<hbm>>
        tpu.wait_dma2 semaphore(%run_scoped3A : memref<!tpu.dma_semaphore, #tpu.memory_space<semaphore_mem>>) src(%dma_wait3A_337 : memref<2x128xi32, #tpu.memory_space<hbm>>) dst(%arg7 : memref<2x128xi32, #tpu.memory_space<vmem>>)
        tpu.yield
      }) : () -> ()
      %dma_start3A_282 = arith.constant 0 : i32
      %dma_start3A_283 = arith.constant 0 : i32
      %dma_start3A_284 = arith.constant 0 : i32
      %dma_start3A_285 = arith.constant 0 : i32
      %dma_start3A_286 = tpu.memref_slice %arg6[%dma_start3A_283, %dma_start3A_284, %dma_start3A_285] : memref<2x128x128xf32, #tpu.memory_space<vmem>> -> memref<1x128x128xf32, #tpu.memory_space<vmem>>
      %dma_start3A_287 = tpu.memref_squeeze %dma_start3A_286 : memref<1x128x128xf32, #tpu.memory_space<vmem>> -> memref<128x128xf32, #tpu.memory_space<vmem>>
      %dma_start3A_288 = arith.constant 0 : i32
      %dma_start3A_289 = tpu.memref_slice %arg7[%dma_start3A_282, %dma_start3A_288] : memref<2x128xi32, #tpu.memory_space<vmem>> -> memref<1x128xi32, #tpu.memory_space<vmem>>
      %dma_start3A_290 = tpu.memref_squeeze %dma_start3A_289 : memref<1x128xi32, #tpu.memory_space<vmem>> -> memref<128xi32, #tpu.memory_space<vmem>>
      %dma_start3A_291 = arith.constant 0 : i32
      %dma_start3A_292 = arith.constant 0 : i32
      %dma_start3A_293 = tpu.memref_slice %arg2[%dma_start3A_291, %dma_start3A_292] : memref<10240x128xf32, #tpu.memory_space<hbm>> -> memref<10240x128xf32, #tpu.memory_space<hbm>>
      tpu.enqueue_indirect_dma source(%dma_start3A_293 : memref<10240x128xf32, #tpu.memory_space<hbm>>) target(%dma_start3A_287 : memref<128x128xf32, #tpu.memory_space<vmem>>) offsets(%dma_start3A_290 : memref<128xi32, #tpu.memory_space<vmem>>) semaphore(%arg10 : memref<!tpu.dma_semaphore, #tpu.memory_space<semaphore_mem>>)
      %dma_wait3A_294 = arith.constant 0 : i32
      %dma_wait3A_295 = arith.constant 0 : i32
      %dma_wait3A_296 = arith.constant 0 : i32
      %dma_wait3A_297 = arith.constant 0 : i32
      %dma_wait3A_298 = tpu.memref_slice %arg6[%dma_wait3A_295, %dma_wait3A_296, %dma_wait3A_297] : memref<2x128x128xf32, #tpu.memory_space<vmem>> -> memref<1x128x128xf32, #tpu.memory_space<vmem>>
      %dma_wait3A_299 = tpu.memref_squeeze %dma_wait3A_298 : memref<1x128x128xf32, #tpu.memory_space<vmem>> -> memref<128x128xf32, #tpu.memory_space<vmem>>
      %dma_wait3A_300 = arith.constant 0 : i32
      %dma_wait3A_301 = tpu.memref_slice %arg7[%dma_wait3A_294, %dma_wait3A_300] : memref<2x128xi32, #tpu.memory_space<vmem>> -> memref<1x128xi32, #tpu.memory_space<vmem>>
      %dma_wait3A_302 = tpu.memref_squeeze %dma_wait3A_301 : memref<1x128xi32, #tpu.memory_space<vmem>> -> memref<128xi32, #tpu.memory_space<vmem>>
      %dma_wait3A_303 = arith.constant 0 : i32
      %dma_wait3A_304 = arith.constant 0 : i32
      %dma_wait3A_305 = tpu.memref_slice %arg2[%dma_wait3A_303, %dma_wait3A_304] : memref<10240x128xf32, #tpu.memory_space<hbm>> -> memref<10240x128xf32, #tpu.memory_space<hbm>>
      tpu.wait_indirect_dma semaphore(%arg10 : memref<!tpu.dma_semaphore, #tpu.memory_space<semaphore_mem>>) src(%dma_wait3A_305 : memref<10240x128xf32, #tpu.memory_space<hbm>>) dst(%dma_wait3A_299 : memref<128x128xf32, #tpu.memory_space<vmem>>)
      %dma_start3A_306 = arith.constant 0 : i32
      %dma_start3A_307 = arith.constant 1 : i32
      %dma_start3A_308 = arith.constant 0 : i32
      %dma_start3A_309 = arith.constant 0 : i32
      %dma_start3A_310 = tpu.memref_slice %arg6[%dma_start3A_306, %dma_start3A_308, %dma_start3A_309] : memref<2x128x128xf32, #tpu.memory_space<vmem>> -> memref<1x128x128xf32, #tpu.memory_space<vmem>>
      %dma_start3A_311 = tpu.memref_squeeze %dma_start3A_310 : memref<1x128x128xf32, #tpu.memory_space<vmem>> -> memref<128x128xf32, #tpu.memory_space<vmem>>
      %dma_start3A_312 = arith.constant 0 : i32
      %dma_start3A_313 = tpu.memref_slice %arg7[%dma_start3A_307, %dma_start3A_312] : memref<2x128xi32, #tpu.memory_space<vmem>> -> memref<1x128xi32, #tpu.memory_space<vmem>>
      %dma_start3A_314 = tpu.memref_squeeze %dma_start3A_313 : memref<1x128xi32, #tpu.memory_space<vmem>> -> memref<128xi32, #tpu.memory_space<vmem>>
      %dma_start3A_315 = arith.constant 0 : i32
      %dma_start3A_316 = arith.constant 0 : i32
      %dma_start3A_317 = tpu.memref_slice %arg8[%dma_start3A_315, %dma_start3A_316] : memref<10240x128xf32, #tpu.memory_space<vmem_shared>> -> memref<10240x128xf32, #tpu.memory_space<vmem_shared>>
      tpu.enqueue_indirect_dma source(%dma_start3A_311 : memref<128x128xf32, #tpu.memory_space<vmem>>) target(%dma_start3A_317 : memref<10240x128xf32, #tpu.memory_space<vmem_shared>>) offsets(%dma_start3A_314 : memref<128xi32, #tpu.memory_space<vmem>>) semaphore(%arg11 : memref<!tpu.dma_semaphore, #tpu.memory_space<semaphore_mem>>) {add = true}
      %dma_wait3A_318 = arith.constant 0 : i32
      %dma_wait3A_319 = arith.constant 1 : i32
      %dma_wait3A_320 = arith.constant 0 : i32
      %dma_wait3A_321 = arith.constant 0 : i32
      %dma_wait3A_322 = tpu.memref_slice %arg6[%dma_wait3A_318, %dma_wait3A_320, %dma_wait3A_321] : memref<2x128x128xf32, #tpu.memory_space<vmem>> -> memref<1x128x128xf32, #tpu.memory_space<vmem>>
      %dma_wait3A_323 = tpu.memref_squeeze %dma_wait3A_322 : memref<1x128x128xf32, #tpu.memory_space<vmem>> -> memref<128x128xf32, #tpu.memory_space<vmem>>
      %dma_wait3A_324 = arith.constant 0 : i32
      %dma_wait3A_325 = tpu.memref_slice %arg7[%dma_wait3A_319, %dma_wait3A_324] : memref<2x128xi32, #tpu.memory_space<vmem>> -> memref<1x128xi32, #tpu.memory_space<vmem>>
      %dma_wait3A_326 = tpu.memref_squeeze %dma_wait3A_325 : memref<1x128xi32, #tpu.memory_space<vmem>> -> memref<128xi32, #tpu.memory_space<vmem>>
      %dma_wait3A_327 = arith.constant 0 : i32
      %dma_wait3A_328 = arith.constant 0 : i32
      %dma_wait3A_329 = tpu.memref_slice %arg8[%dma_wait3A_327, %dma_wait3A_328] : memref<10240x128xf32, #tpu.memory_space<vmem_shared>> -> memref<10240x128xf32, #tpu.memory_space<vmem_shared>>
      tpu.wait_indirect_dma semaphore(%arg11 : memref<!tpu.dma_semaphore, #tpu.memory_space<semaphore_mem>>) src(%dma_wait3A_323 : memref<128x128xf32, #tpu.memory_space<vmem>>) dst(%dma_wait3A_329 : memref<10240x128xf32, #tpu.memory_space<vmem_shared>>)
    } else {
    }
    %barrier3A_273 = arith.constant 0 : index
    tpu.barrier barrier_id(%barrier3A_273)
    %mul3A_274 = arith.constant 640 : i32
    %mul3A_275 = arith.muli %arg1, %mul3A_274 : i32
    %mul3A_276 = arith.constant 640 : i32
    %mul3A_277 = arith.muli %arg1, %mul3A_276 : i32
    "tpu.region"() ({
      %run_scoped3A = tpu.sem_alloc : memref<!tpu.dma_semaphore, #tpu.memory_space<semaphore_mem>>
      %dma_start3A_278 = arith.constant 0 : i32
      %dma_start3A_279 = tpu.memref_slice %arg4[%arg0, %mul3A_277, %dma_start3A_278] : memref<2x10240x128xf32, #tpu.memory_space<hbm>> -> memref<1x640x128xf32, #tpu.memory_space<hbm>>
      %dma_start3A_280 = tpu.memref_squeeze %dma_start3A_279 : memref<1x640x128xf32, #tpu.memory_space<hbm>> -> memref<640x128xf32, #tpu.memory_space<hbm>>
      %dma_start3A_281 = arith.constant 0 : i32
      %dma_start3A_282 = tpu.memref_slice %arg8[%mul3A_275, %dma_start3A_281] : memref<10240x128xf32, #tpu.memory_space<vmem_shared>> -> memref<640x128xf32, #tpu.memory_space<vmem_shared>>
      tpu.enqueue_dma source(%dma_start3A_282 : memref<640x128xf32, #tpu.memory_space<vmem_shared>>) target(%dma_start3A_280 : memref<640x128xf32, #tpu.memory_space<hbm>>) target_semaphore(%run_scoped3A : memref<!tpu.dma_semaphore, #tpu.memory_space<semaphore_mem>>)
      %dma_wait3A_283 = arith.constant 0 : i32
      %dma_wait3A_284 = tpu.memref_slice %arg4[%arg0, %mul3A_277, %dma_wait3A_283] : memref<2x10240x128xf32, #tpu.memory_space<hbm>> -> memref<1x640x128xf32, #tpu.memory_space<hbm>>
      %dma_wait3A_285 = tpu.memref_squeeze %dma_wait3A_284 : memref<1x640x128xf32, #tpu.memory_space<hbm>> -> memref<640x128xf32, #tpu.memory_space<hbm>>
      %dma_wait3A_286 = arith.constant 0 : i32
      %dma_wait3A_287 = tpu.memref_slice %arg8[%mul3A_275, %dma_wait3A_286] : memref<10240x128xf32, #tpu.memory_space<vmem_shared>> -> memref<640x128xf32, #tpu.memory_space<vmem_shared>>
      tpu.wait_dma2 semaphore(%run_scoped3A : memref<!tpu.dma_semaphore, #tpu.memory_space<semaphore_mem>>) src(%dma_wait3A_287 : memref<640x128xf32, #tpu.memory_space<vmem_shared>>) dst(%dma_wait3A_285 : memref<640x128xf32, #tpu.memory_space<hbm>>)
      tpu.yield
    }) : () -> ()
    return
  }
}

module attributes {stable_mosaic.version = 14 : i64} {
  func.func @body(%arg0: i32, %arg1: memref<2048x128xf32, #tpu.memory_space<vmem>>, %arg2: memref<128x128xf32, #tpu.memory_space<vmem>>, %arg3: memref<2x2048xf32, #tpu.memory_space<vmem>>, %arg4: memref<2048x128xf32, #tpu.memory_space<vmem>>) attributes {dimension_semantics = [#tpu.dimension_semantics<arbitrary>], iteration_bounds = array<i64: 5>, scalar_prefetch = 0 : i64, scratch_operands = 0 : i64, tpu.core_type = #tpu.core_type<tc>, window_params = [{transform_indices = @transform_0, window_bounds = array<i64: 2048, 128>}, {pipeline_mode = #tpu.pipeline_mode<synchronous>, transform_indices = @transform_1, window_bounds = array<i64: 128, 128>}, {transform_indices = @transform_2, window_bounds = array<i64: 2, 2048>}, {transform_indices = @transform_3, window_bounds = array<i64: 2048, 128>}]} {
    %get3A = arith.constant 0 : index
    %get3A_0 = arith.constant 0 : index
    %get3A_1 = vector.load %arg3[%get3A, %get3A_0] : memref<2x2048xf32, #tpu.memory_space<vmem>>, vector<1x2048xf32>
    %get3A_2 = vector.shape_cast %get3A_1 : vector<1x2048xf32> to vector<2048xf32>
    %get3A_3 = arith.constant 1 : index
    %get3A_4 = arith.constant 0 : index
    %get3A_5 = vector.load %arg3[%get3A_3, %get3A_4] : memref<2x2048xf32, #tpu.memory_space<vmem>>, vector<1x2048xf32>
    %get3A_6 = vector.shape_cast %get3A_5 : vector<1x2048xf32> to vector<2048xf32>
    %add3A = arith.addf %get3A_2, %get3A_6 : vector<2048xf32>
    %add3A_7 = arith.constant 1.000000e+00 : f32
    %add3A_8 = vector.broadcast %add3A_7 : f32 to vector<2048xf32>
    %add3A_9 = arith.addf %add3A, %add3A_8 : vector<2048xf32>
    %rsqrt3A = math.rsqrt %add3A_9 : vector<2048xf32>
    %get3A_10 = arith.constant 0 : index
    %get3A_11 = arith.constant 0 : index
    %get3A_12 = vector.load %arg1[%get3A_10, %get3A_11] : memref<2048x128xf32, #tpu.memory_space<vmem>>, vector<2048x128xf32>
    %get3A_13 = arith.constant 0 : index
    %get3A_14 = arith.constant 0 : index
    %get3A_15 = vector.load %arg2[%get3A_13, %get3A_14] : memref<128x128xf32, #tpu.memory_space<vmem>>, vector<128x128xf32>
    %dot_general3A = arith.constant dense<0.000000e+00> : vector<2048x128xf32>
    %dot_general3A_16 = tpu.matmul %get3A_12, %get3A_15, %dot_general3A {dimension_numbers = #tpu.dot_dimension_numbers<[1], [0], [0], [1], [0, 0, 1, 1], [], []>, transpose_lhs_hint = false} : vector<2048x128xf32>, vector<128x128xf32>, vector<2048x128xf32> -> vector<2048x128xf32>
    %broadcast_in_dim3A = vector.shape_cast %rsqrt3A : vector<2048xf32> to vector<2048x1xf32>
    %mul3A = vector.broadcast %broadcast_in_dim3A : vector<2048x1xf32> to vector<2048x128xf32>
    %mul3A_17 = arith.mulf %dot_general3A_16, %mul3A : vector<2048x128xf32>
    %swap3A = arith.constant 0 : index
    %swap3A_18 = arith.constant 0 : index
    %swap3A_19 = vector.load %arg4[%swap3A, %swap3A_18] : memref<2048x128xf32, #tpu.memory_space<vmem>>, vector<2048x128xf32>
    tpu.vector_store %arg4[%swap3A, %swap3A_18], %mul3A_17 {strides = array<i32>} : memref<2048x128xf32, #tpu.memory_space<vmem>>, vector<2048x128xf32>,
    return
  }
  func.func @transform_0(%arg0: i32) -> (i32, i32) {
    %c0_i32 = arith.constant 0 : i32
    %c0_i32_0 = arith.constant 0 : i32
    return %arg0, %c0_i32 : i32, i32
  }
  func.func @transform_1(%arg0: i32) -> (i32, i32) {
    %c0_i32 = arith.constant 0 : i32
    %c0_i32_0 = arith.constant 0 : i32
    %c0_i32_1 = arith.constant 0 : i32
    return %c0_i32, %c0_i32_0 : i32, i32
  }
  func.func @transform_2(%arg0: i32) -> (i32, i32) {
    %c0_i32 = arith.constant 0 : i32
    %c0_i32_0 = arith.constant 0 : i32
    return %c0_i32, %arg0 : i32, i32
  }
  func.func @transform_3(%arg0: i32) -> (i32, i32) {
    %c0_i32 = arith.constant 0 : i32
    %c0_i32_0 = arith.constant 0 : i32
    return %arg0, %c0_i32 : i32, i32
  }
}

module attributes {stable_mosaic.version = 14 : i64} {
  func.func @body(%arg0: i32, %arg1: memref<2x2000x128xf32, #tpu.memory_space<vmem>>, %arg2: memref<2x2000x1xf32, #tpu.memory_space<vmem>>, %arg3: memref<128xf32, #tpu.memory_space<vmem>>, %arg4: memref<2000x128xf32, #tpu.memory_space<vmem>>) attributes {dimension_semantics = [#tpu.dimension_semantics<arbitrary>], iteration_bounds = array<i64: 5>, scalar_prefetch = 0 : i64, scratch_operands = 0 : i64, tpu.core_type = #tpu.core_type<tc>, window_params = [{transform_indices = @transform_0, window_bounds = array<i64: 2, 2000, 128>}, {transform_indices = @transform_1, window_bounds = array<i64: 2, 2000, 1>}, {pipeline_mode = #tpu.pipeline_mode<synchronous>, transform_indices = @transform_2, window_bounds = array<i64: 128>}, {transform_indices = @transform_3, window_bounds = array<i64: 2000, 128>}]} {
    %get3A = arith.constant 0 : index
    %get3A_0 = arith.constant 0 : index
    %get3A_1 = arith.constant 0 : index
    %get3A_2 = vector.load %arg2[%get3A, %get3A_0, %get3A_1] : memref<2x2000x1xf32, #tpu.memory_space<vmem>>, vector<1x2000x1xf32>
    %get3A_3 = vector.shape_cast %get3A_2 : vector<1x2000x1xf32> to vector<2000x1xf32>
    %get3A_4 = arith.constant 1 : index
    %get3A_5 = arith.constant 0 : index
    %get3A_6 = arith.constant 0 : index
    %get3A_7 = vector.load %arg2[%get3A_4, %get3A_5, %get3A_6] : memref<2x2000x1xf32, #tpu.memory_space<vmem>>, vector<1x2000x1xf32>
    %get3A_8 = vector.shape_cast %get3A_7 : vector<1x2000x1xf32> to vector<2000x1xf32>
    %add3A = arith.addf %get3A_3, %get3A_8 : vector<2000x1xf32>
    %add3A_9 = arith.constant 1.000000e+00 : f32
    %add3A_10 = vector.broadcast %add3A_9 : f32 to vector<2000x1xf32>
    %add3A_11 = arith.addf %add3A, %add3A_10 : vector<2000x1xf32>
    %rsqrt3A = math.rsqrt %add3A_11 : vector<2000x1xf32>
    %get3A_12 = arith.constant 0 : index
    %get3A_13 = arith.constant 0 : index
    %get3A_14 = arith.constant 0 : index
    %get3A_15 = vector.load %arg1[%get3A_12, %get3A_13, %get3A_14] : memref<2x2000x128xf32, #tpu.memory_space<vmem>>, vector<1x2000x128xf32>
    %get3A_16 = vector.shape_cast %get3A_15 : vector<1x2000x128xf32> to vector<2000x128xf32>
    %get3A_17 = arith.constant 1 : index
    %get3A_18 = arith.constant 0 : index
    %get3A_19 = arith.constant 0 : index
    %get3A_20 = vector.load %arg1[%get3A_17, %get3A_18, %get3A_19] : memref<2x2000x128xf32, #tpu.memory_space<vmem>>, vector<1x2000x128xf32>
    %get3A_21 = vector.shape_cast %get3A_20 : vector<1x2000x128xf32> to vector<2000x128xf32>
    %add3A_22 = arith.addf %get3A_16, %get3A_21 : vector<2000x128xf32>
    %mul3A = vector.broadcast %rsqrt3A : vector<2000x1xf32> to vector<2000x128xf32>
    %mul3A_23 = arith.mulf %add3A_22, %mul3A : vector<2000x128xf32>
    %get3A_24 = arith.constant 0 : index
    %get3A_25 = vector.load %arg3[%get3A_24] : memref<128xf32, #tpu.memory_space<vmem>>, vector<128xf32>
    %broadcast_in_dim3A = vector.shape_cast %get3A_25 : vector<128xf32> to vector<1x128xf32>
    %add3A_26 = vector.broadcast %broadcast_in_dim3A : vector<1x128xf32> to vector<2000x128xf32>
    %add3A_27 = arith.addf %mul3A_23, %add3A_26 : vector<2000x128xf32>
    %tanh3A = math.tanh %add3A_27 : vector<2000x128xf32>
    %swap3A = arith.constant 0 : index
    %swap3A_28 = arith.constant 0 : index
    %swap3A_29 = vector.load %arg4[%swap3A, %swap3A_28] : memref<2000x128xf32, #tpu.memory_space<vmem>>, vector<2000x128xf32>
    tpu.vector_store %arg4[%swap3A, %swap3A_28], %tanh3A {strides = array<i32>} : memref<2000x128xf32, #tpu.memory_space<vmem>>, vector<2000x128xf32>,
    return
  }
  func.func @transform_0(%arg0: i32) -> (i32, i32, i32) {
    %c0_i32 = arith.constant 0 : i32
    %c0_i32_0 = arith.constant 0 : i32
    %c0_i32_1 = arith.constant 0 : i32
    return %c0_i32, %arg0, %c0_i32_0 : i32, i32, i32
  }
  func.func @transform_1(%arg0: i32) -> (i32, i32, i32) {
    %c0_i32 = arith.constant 0 : i32
    %c0_i32_0 = arith.constant 0 : i32
    %c0_i32_1 = arith.constant 0 : i32
    return %c0_i32, %arg0, %c0_i32_0 : i32, i32, i32
  }
  func.func @transform_2(%arg0: i32) -> i32 {
    %c0_i32 = arith.constant 0 : i32
    %c0_i32_0 = arith.constant 0 : i32
    return %c0_i32 : i32
  }
  func.func @transform_3(%arg0: i32) -> (i32, i32) {
    %c0_i32 = arith.constant 0 : i32
    %c0_i32_0 = arith.constant 0 : i32
    return %arg0, %c0_i32 : i32, i32
  }
}

</mosaic_0001>

<sc_bundles>
// kernel: kernel.6.cloned.1.call-start
scs
__scs_entry_jumppad:
0x0: {  	(pc) =	sbr.rel $0x88, $3  }
0x1: {  	(tag) =	ssettag $0x0;
	lr =	simm.s32 $0x1  }
0x2: {  	[smem:$0x3F9D] =	sst lr;
	_ =	strace $0xD0000000  }
0x3: {  	_ = 	snop  }
0x4: {  	_ = 	snop  }
0x5: {  	_ = 	snop  }
0x6: {  	_ = 	snop  }
0x7: {  	_ = 	snop  }
__scs_overlays_trampoline_lowered:
0x8: {  	[smem:$0x3FAC] =	sst s0  }
0x9: {  	[smem:$0x3FAD] =	sst s1  }
0xa: {  	[smem:$0x3FAE] =	sst s2  }
0xb: {  	[smem:$0x3FAF] =	sst s3  }
0xc: {  	[smem:$0x3FB0] =	sst s4  }
0xd: {  	[smem:$0x3FB1] =	sst s5  }
0xe: {  	[smem:$0x3FB2] =	sst s6  }
0xf: {  	[smem:$0x3FB3] =	sst s7  }
0x10: {  	[smem:$0x3FB4] =	sst s8  }
0x11: {  	[smem:$0x3FB5] =	sst s9;
	s0 =	simm.s32 @!p0 $0x0  }
0x12: {  	s1 =	sld [smem:$0x3F9B];
	s0 =	simm.s32 @p0 $0x1  }
0x13: {  	[smem:$0x3FB6] =	sst s0;
	s0 =	simm.s32 @!p1 $0x0  }
0x14: {  	s2 =	sld [smem:$0x3F9A];
	s0 =	simm.s32 @p1 $0x1  }
0x15: {  	[smem:$0x3FB7] =	sst s0;
	s0 =	simm.s32 @!p2 $0x0  }
0x16: {  	s3 =	sld [smem:$0x3FDB];
	s0 =	simm.s32 @p2 $0x1  }
0x17: {  	s4 =	simm.s32 $0x1BF5;
	[smem:$0x3FB9] =	sst s0  }
0x18: {  	s0 =	sld [smem:$0x3F9C];
	_ =	swait.ge [sflag:s4], $0x0  }
0x19: {  	s7 =	sld [smem:$0x3F9D]  }
0x1a: {  	s8 =	sadd.s32 $0xFFFFE003, lr  }
0x1b: {  	s9 =	sadd.s32 $0xFFFFFEF7, lr;
	s5 =	simm.s32 $0xFFFFFFFF;
	p2 =	slt.u32 s8, $0xFFFFF086  }
0x1c: {  	p1 =	slt.u32 s9, $0xF7A;
	s5 =	simm.s32 @!p2 $0x0  }
0x1d: {  	s5 =	simm.s32 @p1 $0x1;
	p0 =	seq.s32 s7, s2  }
0x1e: {  	s7 =	smul.u32 @!p0 $0xF7A, s2;
	p2 =	seq.s32 @!p0 s5, $0x0  }
0x1f: {  	s9 =	smul.u32 $0xF7A, s1;
	s8 =	simm.s32 @!p0 $0x1BF5;
	p2 =	por !p2, p0  }
0x20: {  	[sflag:s8] =	ssyncset.s32 @!p0 $0xFFFFF086;
	s6 =	sadd.s32 @!p0 s3, s7;
	s7 =	simm.s32 @!p0 $0x108  }
0x21: {  	s3 =	sadd.s32 s3, s9;
	s6 =	sadd.s32 @!p0 $0x88, s6;
	s7 =	simm.s32 @p2 $0x1082  }
0x22: {  	[simem:s7], [sflag:s8] =	dma.local @!p0 [hbm:s6], $0xF7A  }
0x23: {  	s9 =	sor.u32 $0xD0000000, s2;
	s6 =	simm.s32 $0x108;
	_ =	swait.ge @!p0 [sflag:s8], $0x0  }
0x24: {  	s3 =	sadd.s32 $0x88, s3;
	s6 =	simm.s32 @!p1 $0x1082;
	[sflag:s4] =	ssyncset.s32 $0xFFFFF086  }
0x25: {  	[simem:s6], [sflag:s4] =	dma.local [hbm:s3], $0xF7A  }
0x26: {  	[smem:$0x3F9D] =	sst s1;
	(tag) =	ssettag s2;
	_ =	strace s9  }
0x27: {  	s1 =	sld [smem:$0x3FAD]  }
0x28: {  	s2 =	sld [smem:$0x3FAE]  }
0x29: {  	s4 =	sld [smem:$0x3FB0]  }
0x2a: {  	p0 =	seq.s32 s5, $0x0;
	s5 =	sld [smem:$0x3FB1]  }
0x2b: {  	s6 =	sld [smem:$0x3FB2]  }
0x2c: {  	s7 =	sld [smem:$0x3FB3]  }
0x2d: {  	s3 =	simm.s32 $0x108;
	s8 =	sld [smem:$0x3FB4]  }
0x2e: {  	s3 =	simm.s32 @!p0 $0x1082;
	s9 =	sld [smem:$0x3FB5]  }
0x2f: {  	lr =	sadd.s32 s0, s3;
	s0 =	sld [smem:$0x3FAC]  }
0x30: {  	s3 =	sld [smem:$0x3FAF]  }
0x31: {  	[smem:$0x3FB8] =	sst s10  }
0x32: {  	s10 =	sld [smem:$0x3FB6];
	_ =	sdelay $0x3  }
0x33: {  	p0 =	seq.s32 s10, $0x1;
	s10 =	sld [smem:$0x3FB8];
	_ =	sdelay $0x3  }
0x34: {  	[smem:$0x3FB8] =	sst s10  }
0x35: {  	s10 =	sld [smem:$0x3FB7];
	_ =	sdelay $0x3  }
0x36: {  	p1 =	seq.s32 s10, $0x1;
	s10 =	sld [smem:$0x3FB8];
	_ =	sdelay $0x3  }
0x37: {  	[smem:$0x3FB8] =	sst s10  }
0x38: {  	s10 =	sld [smem:$0x3FB9]  }
0x39: {  	_ = 	snop;
	(pc) =	sbr.ind lr, $3  }
0x3a: {  	_ = 	snop  }
0x3b: {  	_ = 	snop  }
0x3c: {  	p2 =	seq.s32 s10, $0x1;
	s10 =	sld [smem:$0x3FB8]  }
0x3d: {  	_ =	shalt  }
0x3e: {  	_ =	shalt  }
0x3f: {  	_ =	shalt  }
0x40: {  	_ =	shalt  }
0x41: {  	_ =	shalt  }
0x42: {  	_ =	shalt  }
0x43: {  	_ =	shalt  }
0x44: {  	_ =	shalt  }
0x45: {  	_ =	shalt  }
0x46: {  	_ =	shalt  }
0x47: {  	_ =	shalt  }
0x48: {  	_ =	shalt  }
0x49: {  	_ =	shalt  }
0x4a: {  	_ =	shalt  }
0x4b: {  	_ =	shalt  }
0x4c: {  	_ =	shalt  }
0x4d: {  	_ =	shalt  }
0x4e: {  	_ =	shalt  }
0x4f: {  	_ =	shalt  }
0x50: {  	_ =	shalt  }
0x51: {  	_ =	shalt  }
0x52: {  	_ =	shalt  }
0x53: {  	_ =	shalt  }
0x54: {  	_ =	shalt  }
0x55: {  	_ =	shalt  }
0x56: {  	_ =	shalt  }
0x57: {  	_ =	shalt  }
0x58: {  	_ =	shalt  }
0x59: {  	_ =	shalt  }
0x5a: {  	_ =	shalt  }
0x5b: {  	_ =	shalt  }
0x5c: {  	_ =	shalt  }
0x5d: {  	_ =	shalt  }
0x5e: {  	_ =	shalt  }
0x5f: {  	_ =	shalt  }
0x60: {  	_ =	shalt  }
0x61: {  	_ =	shalt  }
0x62: {  	_ =	shalt  }
0x63: {  	_ =	shalt  }
0x64: {  	_ =	shalt  }
0x65: {  	_ =	shalt  }
0x66: {  	_ =	shalt  }
0x67: {  	_ =	shalt  }
0x68: {  	_ =	shalt  }
0x69: {  	_ =	shalt  }
0x6a: {  	_ =	shalt  }
0x6b: {  	_ =	shalt  }
0x6c: {  	_ =	shalt  }
0x6d: {  	_ =	shalt  }
0x6e: {  	_ =	shalt  }
0x6f: {  	_ =	shalt  }
0x70: {  	_ =	shalt  }
0x71: {  	_ =	shalt  }
0x72: {  	_ =	shalt  }
0x73: {  	_ =	shalt  }
0x74: {  	_ =	shalt  }
0x75: {  	_ =	shalt  }
0x76: {  	_ =	shalt  }
0x77: {  	_ =	shalt  }
0x78: {  	_ =	shalt  }
0x79: {  	_ =	shalt  }
0x7a: {  	_ =	shalt  }
0x7b: {  	_ =	shalt  }
0x7c: {  	_ =	shalt  }
0x7d: {  	_ =	shalt  }
0x7e: {  	_ =	shalt  }
0x7f: {  	_ =	shalt  }
0x80: {  	_ =	shalt  }
0x81: {  	_ =	shalt  }
0x82: {  	_ =	shalt  }
0x83: {  	_ =	shalt  }
0x84: {  	_ =	shalt  }
0x85: {  	_ =	shalt  }
0x86: {  	_ =	shalt  }
0x87: {  	_ =	shalt  }
.Lfunc_end0:
.L_simem_size_0:
called_computation_lowered:
.L_overlay_start_0:
0x88: {  	s2 =	sld [smem:$0x3FD9]  }
0x89: {  	s3 =	sld [smem:$0x3FFE];
	_ =	sdelay $0x1  }
0x8a: {  	s1 =	srdreg.scid  }
0x8b: {  	s0 =	sand.u32 $0x1, s1  }
0x8c: {  	s18 =	sshll.u32 s0, $0xA;
	s2 =	sadd.s32 s3, s2  }
0x8d: {  	s2 =	sadd.s32 s2, s18  }
0x8e: {  	[smem:$0x3FC4] =	sst s2  }
0x8f: {  	_ = 	snop  }
0x90: {  	s2 =	sld [smem:$0x3FC8]  }
0x91: {  	s19 =	sld [smem:$0x3FD0];
	(tm) =	ssettm $0x1  }
0x92: {  	s4 =	sld [smem:$0x3FFB];
	_ =	sdelay $0x3  }
0x93: {  	_ =	strace s4  }
0x94: {  	s4 =	sld [smem:$0x3FFC];
	_ =	sdelay $0x3  }
0x95: {  	_ =	strace s4  }
0x96: {  	s4 =	sld [smem:$0x3FFD];
	_ =	sdelay $0x3  }
0x97: {  	_ =	strace s4  }
0x98: {  	_ =	strace $0x8FFFFFFF  }
0x99: {  	s20 =	sld [smem:$0x3FDB];
	_ =	sdelay $0x1  }
0x9a: {  	s5 =	simm.s32 $_scs_section_size  }
0x9b: {  	s6 =	simm.s32 $_size__tile_overlayer_lowered;
	s7 =	simm.s32 $_tile_overlayer_lowered  }
0x9c: {  	s23 =	simm.s32 $0x1BFF;
	s22 =	sshll.u32 s7, $0x1;
	s4 =	sadd.s32 s5, s20  }
0x9d: {  	s8 =	simm.s32 $0x0;
	s21 =	sshll.u32 s6, $0x1;
	s6 =	sadd.s32 s22, s4  }
0x9e: {  	[timem:s8], [sflag:s23] =	dma.local [hbm:s6], s21  }
0x9f: {  	_ =	swait.ge [sflag:s23], s21  }
0xa0: {  	s5 =	ssub.s32 $0x0, s21;
	[sflag:s23] =	ssyncset.done $0x0  }
0xa1: {  	[sflag:s23] =	ssyncadd.s32 s5;
	_ =	sdelay $0x1  }
0xa2: {  	s24 =	simm.s32 $0x1B8B  }
0xa3: {  	_ =	swait.ge [sflag:s24], $0x1  }
0xa4: {  	[sflag:s24] =	ssyncset.done $0x0  }
0xa5: {  	s25 =	simm.s32 $0x1B8E;
	[sflag:s24] =	ssyncadd.s32 $0xFFFFFFFF  }
0xa6: {  	s26 =	simm.s32 $execute0_lowered;
	[smem:$0x3FD2] =	sst s25  }
0xa7: {  	s5 =	sshll.u32 s26, $0x1;
	_ =	strace $0x80000046;
	[dreg:$0x1] =	wrdreg $0xFFFFFFFF  }
0xa8: {  	s28 =	simm.s32 $_size_execute0_lowered;
	s4 =	sadd.s32 s4, s5;
	[dreg:$0x0] =	wrdreg $0x0  }
0xa9: {  	s5 =	sshll.u32 s28, $0x1;
	[dreg:$0x2] =	wrdreg s4  }
0xaa: {  	[dreg:$0x3] =	wrdreg s5  }
0xab: {  	[dreg:$0x4] =	wrdreg $0xC0  }
0xac: {  	_ =	task [dreg:s8], $0x5FFFF  }
0xad: {  	[dreg:$0x1] =	wrdreg $0xFFFFFFFF  }
0xae: {  	[dreg:$0x0] =	wrdreg $0x60  }
0xaf: {  	[dreg:$0x2] =	wrdreg s2  }
0xb0: {  	[dreg:$0x3] =	wrdreg s19  }
0xb1: {  	[dreg:$0x4] =	wrdreg $0x5A000  }
0xb2: {  	[dreg:$0x5] =	wrdreg $0x9  }
0xb3: {  	_ =	task.clear_ibuf [dreg:s8], $0x6FFFF;
	_ =	strace $0x90000046  }
0xb4: {  	s29 =	simm.s32 $0x9;
	_ =	strace $0x80000048  }
0xb5: {  	_ =	swait.ge [sflag:s29], $0x1  }
0xb6: {  	[sflag:s29] =	ssyncadd.s32 $0xFFFFFFFF  }
0xb7: {  	_ =	strace $0x90000048  }
0xb8: {  	_ =	sfence  }
0xb9: {  	s30 =	sld [smem:$0x0];
	_ =	sdelay $0x2  }
0xba: {  	s31 =	sshll.u32 s1, $0xD;
	s1 =	sshrl.u32 s1, $0x2  }
0xbb: {  	s3 =	sand.u32 $0x4000, s31;
	s1 =	sadd.s32 s1, s30  }
0xbc: {  	s0 =	sor.u32 s3, s0;
	s1 =	sshll.u32 s1, $0x11  }
0xbd: {  	s0 =	sor.u32 s1, s0  }
0xbe: {  	s0 =	sadd.s32 $0x8F2B, s0  }
0xbf: {  	[sflag:s0] =	ssyncadd.remote.s32 $0x1  }
0xc0: {  	_ =	sfence.sel $0xFFFF  }
0xc1: {  	[dreg:$0x0] =	wrdreg $0xFFFFFFFF;
	(pc) =	sbr.abs _section_cstart, $3  }
0xc2: {  	[dreg:$0x1] =	wrdreg $0xFFFFFFFF  }
0xc3: {  	_ =	task.clear_ibuf [dreg:s8], $0x2FFFF;
	_ =	strace $0x9FFFFFFF  }
0xc4: {  	(tm) =	ssettm $0x7FFFFFFF  }
0xc5: {  	_ =	shalt  }
tec
execute0_lowered:
.L_overlay_start_1:
0x0: {  	(tag) =	ssettag $0x1  }
0x1: {  	s5 =	rddreg [dreg:$0x0]  }
0x2: {  	s7 =	rddreg [dreg:$0x1];
	s1 =	srdreg.scid  }
0x3: {  	s0 =	stileid.u32;
	s2 =	rddreg [dreg:$0x2];
	s13 =	simm.s32 $0x5700  }
0x4: {  	s14 =	simm.s32 $0x2;
	s17 =	simm.s32 $0x20;
	s18 =	simm.s32 $0x10  }
0x5: {  	s19 =	simm.s32 $0x0;
	s6 =	sand.u32 $0x1, s1;
	s11 =	smul.u32 $0xA00, s0  }
0x6: {  	s3 =	sshll.u32 s0, $0x1;
	s1 =	rddreg [dreg:$0x3];
	s12 =	smul.u32 $0x500, s0  }
0x7: {  	p0 =	sgt.u32 s0, $0x1;
	s15 =	sshll.u32 s0, $0x6;
	s8 =	sor.u32 s6, s3  }
0x8: {  	s3 =	simm.s32 $0x0;
	s4 =	ssub.s32 $0x2, s6;
	s6 =	sshll.u32 s6, $0x7  }
0x9: {  	s15 =	sor.u32 $0x1C03, s15;
	s9 =	smul.u32 $0x9C0, s8;
	[smem:$0x7FF] =	sst s3  }
0xa: {  	s10 =	sshrl.u32 s4, $0x1;
	s8 =	sshll.u32 s8, $0x5;
	s29 =	sshrl.u32 s11, $0x2  }
0xb: {  	s30 =	sor.u32 s6, s12;
	s11 =	simm.s32 $0x1;
	s12 =	simm.s32 $0x80  }
0xc: {  	_ =	strace $0x80000047;
	s10 =	ssub.s32 s4, s10;
	s8 =	sadd.s32 s8, s5  }
0xd: {  	s31 =	sshrl.u32 s30, $0x3;
	s4 =	sadd.s32 s5, s9;
	s5 =	sadd.s32 s29, s2  }
0xe: {  	s6 =	sadd.s32 $0x13800, s8;
	s7 =	sadd.s32 s7, s31;
	s8 =	smax.u32 s10, $0x1  }
0xf: {  	v0 =	vimm.f32 $1.000000000e+00;
	v1 =	vimm.f32 $0.0e+00;
	s9 =	simm.s32 $0x5780;
	s10 =	simm.s32 $0x3;
	s16 =	sshrl.u32 s5, $0x3  }
.LBB2_1:
0x10: {  	[tilespmem:s3], [sflag:$0x1] =	stream.linear.gather [hbm4b:s4+s3], $0x4E00, $0x38;
	[tilespmem:$0x5C80] =	vst v63  }
0x11: {  	[tilespmem:$0x5700] =	vst v0  }
0x12: {  	[tilespmem:$0x5710] =	vst v0  }
0x13: {  	[tilespmem:$0x5720] =	vst v0  }
0x14: {  	[tilespmem:$0x5730] =	vst v0  }
0x15: {  	[tilespmem:$0x5740] =	vst v0  }
0x16: {  	[tilespmem:$0x5750] =	vst v0  }
0x17: {  	[tilespmem:$0x5760] =	vst v0  }
0x18: {  	[tilespmem:$0x5770] =	vst v0  }
0x19: {  	[tilespmem:$0x5780] =	vst v1  }
0x1a: {  	[tilespmem:$0x5790] =	vst v1  }
0x1b: {  	[tilespmem:$0x57A0] =	vst v1  }
0x1c: {  	[tilespmem:$0x57B0] =	vst v1  }
0x1d: {  	[tilespmem:$0x57C0] =	vst v1  }
0x1e: {  	[tilespmem:$0x57D0] =	vst v1  }
0x1f: {  	[tilespmem:$0x57E0] =	vst v1  }
0x20: {  	[tilespmem:$0x57F0] =	vst v1  }
0x21: {  	[tilespmem:$0x5800] =	vst v1  }
0x22: {  	[tilespmem:$0x5810] =	vst v1  }
0x23: {  	[tilespmem:$0x5820] =	vst v1  }
0x24: {  	[tilespmem:$0x5830] =	vst v1  }
0x25: {  	[tilespmem:$0x5840] =	vst v1  }
0x26: {  	[tilespmem:$0x5850] =	vst v1  }
0x27: {  	[tilespmem:$0x5860] =	vst v1  }
0x28: {  	[tilespmem:$0x5870] =	vst v1  }
0x29: {  	[tilespmem:$0x5880] =	vst v1  }
0x2a: {  	[tilespmem:$0x5890] =	vst v1  }
0x2b: {  	[tilespmem:$0x58A0] =	vst v1  }
0x2c: {  	[tilespmem:$0x58B0] =	vst v1  }
0x2d: {  	[tilespmem:$0x58C0] =	vst v1  }
0x2e: {  	[tilespmem:$0x58D0] =	vst v1  }
0x2f: {  	[tilespmem:$0x58E0] =	vst v1  }
0x30: {  	[tilespmem:$0x58F0] =	vst v1  }
0x31: {  	[tilespmem:$0x5900] =	vst v1  }
0x32: {  	[tilespmem:$0x5910] =	vst v1  }
0x33: {  	[tilespmem:$0x5920] =	vst v1  }
0x34: {  	[tilespmem:$0x5930] =	vst v1  }
0x35: {  	[tilespmem:$0x5940] =	vst v1  }
0x36: {  	[tilespmem:$0x5950] =	vst v1  }
0x37: {  	[tilespmem:$0x5960] =	vst v1  }
0x38: {  	[tilespmem:$0x5970] =	vst v1  }
0x39: {  	[tilespmem:$0x5980] =	vst v1  }
0x3a: {  	[tilespmem:$0x5990] =	vst v1  }
0x3b: {  	[tilespmem:$0x59A0] =	vst v1  }
0x3c: {  	[tilespmem:$0x59B0] =	vst v1  }
0x3d: {  	[tilespmem:$0x59C0] =	vst v1  }
0x3e: {  	[tilespmem:$0x59D0] =	vst v1  }
0x3f: {  	[tilespmem:$0x59E0] =	vst v1  }
0x40: {  	[tilespmem:$0x59F0] =	vst v1  }
0x41: {  	[spmem:s5] =	stream.linear.scatter [tilespmem:s9], [sflag:$0x3], $0x280, $0x38;
	[tilespmem:$0x5C80] =	vst v63  }
0x42: {  	_ =	swait.ge [sflag:s10], $0x280  }
0x43: {  	[sflag:s10] =	ssyncset.done $0x0  }
0x44: {  	[sflag:s10] =	ssyncadd.s32 $0xFFFFFD80  }
0x45: {  	_ =	swait.ge [sflag:s11], $0x4E00  }
0x46: {  	[sflag:s11] =	ssyncset.done $0x0  }
0x47: {  	[sflag:s11] =	ssyncadd.s32 $0xFFFFB200  }
0x48: {  	s20 =	simm.s32 $0xF0;
	[bflag:$0x0] =	sbarrier.arrive $0xFFFF  }
0x49: {  	v2 =	vld [tilespmem:s20+$0xFFFFFF90];
	_ =	sdelay $0x3  }
0x4a: {  	s21 =	sand.u32 $0x780, s3  }
0x4b: {  	[tilespmem:s21+$0x4E00] =	vst v2  }
0x4c: {  	v2 =	vld [tilespmem:s20+$0xFFFFFFA0];
	_ =	sdelay $0x4  }
0x4d: {  	[tilespmem:s21+$0x4E10] =	vst v2  }
0x4e: {  	v2 =	vld [tilespmem:s20+$0xFFFFFFB0];
	_ =	sdelay $0x4  }
0x4f: {  	[tilespmem:s21+$0x4E20] =	vst v2  }
0x50: {  	v2 =	vld [tilespmem:s20+$0xFFFFFFC0];
	_ =	sdelay $0x4  }
0x51: {  	[tilespmem:s21+$0x4E30] =	vst v2  }
0x52: {  	v2 =	vld [tilespmem:s20+$0xFFFFFFD0];
	_ =	sdelay $0x4  }
0x53: {  	[tilespmem:s21+$0x4E40] =	vst v2  }
0x54: {  	v2 =	vld [tilespmem:s20+$0xFFFFFFE0];
	_ =	sdelay $0x4  }
0x55: {  	[tilespmem:s21+$0x4E50] =	vst v2  }
0x56: {  	v2 =	vld [tilespmem:s20+$0xFFFFFFF0];
	_ =	sdelay $0x4  }
0x57: {  	[tilespmem:s21+$0x4E60] =	vst v2  }
0x58: {  	v2 =	vld [tilespmem:s20+$0x0];
	_ =	sdelay $0x3  }
0x59: {  	p2 =	por $0x1, $0x1  }
0x5a: {  	s22 =	simm.s32 $0x0;
	s31 =	sadd.s32 $0x4E00, s21;
	s24 =	simm.s32 @!p2 $0x2;
	[tilespmem:s21+$0x4E70] =	vst v2  }
0x5b: {  	[spmem:s2] =	stream.indirect.scatter.add.f32 [tilespmem:s13], [sflag:$0x2], $0x1, s31, s12, $0xb8;
	[tilespmem:$0x5C80] =	vst v63  }
0x5c: {  	s20 =	simm.s32 $0x1;
	s21 =	simm.s32 $0x1F0;
	_ =	swait.ge @!p2 [sflag:s24], $0x80  }
.LBB2_2:
0x5d: {  	[sflag:s24] =	ssyncset.done @!p2 $0x0  }
0x5e: {  	s22 =	sadd.s32 $0x80, s22;
	s23 =	smov.u32 s20;
	s20 =	sadd.s32 $0x1, s20  }
0x5f: {  	p1 =	sne.s32 s20, $0x4E;
	[sflag:s24] =	ssyncadd.s32 @!p2 $0xFFFFFF80  }
0x60: {  	v2 =	vld [tilespmem:s21+$0xFFFFFF90];
	_ =	sdelay $0x2  }
0x61: {  	s24 =	sand.u32 $0x780, s22;
	_ =	sdelay $0x1  }
0x62: {  	[tilespmem:s24+$0x4E00] =	vst v2  }
0x63: {  	v2 =	vld [tilespmem:s21+$0xFFFFFFA0];
	_ =	sdelay $0x4  }
0x64: {  	[tilespmem:s24+$0x4E10] =	vst v2  }
0x65: {  	v2 =	vld [tilespmem:s21+$0xFFFFFFB0];
	_ =	sdelay $0x4  }
0x66: {  	[tilespmem:s24+$0x4E20] =	vst v2  }
0x67: {  	v2 =	vld [tilespmem:s21+$0xFFFFFFC0];
	_ =	sdelay $0x4  }
0x68: {  	[tilespmem:s24+$0x4E30] =	vst v2  }
0x69: {  	v2 =	vld [tilespmem:s21+$0xFFFFFFD0];
	_ =	sdelay $0x4  }
0x6a: {  	[tilespmem:s24+$0x4E40] =	vst v2  }
0x6b: {  	v2 =	vld [tilespmem:s21+$0xFFFFFFE0];
	_ =	sdelay $0x4  }
0x6c: {  	[tilespmem:s24+$0x4E50] =	vst v2  }
0x6d: {  	v2 =	vld [tilespmem:s21+$0xFFFFFFF0];
	_ =	sdelay $0x4  }
0x6e: {  	[tilespmem:s24+$0x4E60] =	vst v2  }
0x6f: {  	v2 =	vld [tilespmem:s21+$0x0];
	_ =	sdelay $0x2  }
.Ltmp0:
0x70: {  	(pc) =	sbr.rel @p1 .LBB2_2-.Ltmp0, $4  }
0x71: {  	p2 =	slt.u32 s23, $0x8;
	s25 =	sadd.s32 $0x4E00, s24  }
0x72: {  	[tilespmem:s24+$0x4E70] =	vst v2;
	s24 =	simm.s32 @!p2 $0x2  }
0x73: {  	[spmem:s2] =	stream.indirect.scatter.add.f32 [tilespmem:s13], [sflag:$0x2], $0x1, s25, s12, $0xb8;
	[tilespmem:$0x5C80] =	vst v63  }
0x74: {  	s21 =	sadd.s32 $0x100, s21;
	_ =	swait.ge @!p2 [sflag:s24], $0x80  }
0x75: {  	[sflag:s24] =	ssyncset.done @!p2 $0x0  }
0x76: {  	[sflag:s24] =	ssyncadd.s32 @!p2 $0xFFFFFF80  }
0x77: {  	_ =	swait.ge [sflag:s14], $0x80  }
0x78: {  	[sflag:s14] =	ssyncset.done $0x0  }
0x79: {  	[sflag:s14] =	ssyncadd.s32 $0xFFFFFF80  }
0x7a: {  	_ =	swait.ge [sflag:s14], $0x80  }
0x7b: {  	[sflag:s14] =	ssyncset.done $0x0  }
0x7c: {  	[sflag:s14] =	ssyncadd.s32 $0xFFFFFF80  }
0x7d: {  	_ =	swait.ge [sflag:s14], $0x80  }
0x7e: {  	[sflag:s14] =	ssyncset.done $0x0  }
0x7f: {  	[sflag:s14] =	ssyncadd.s32 $0xFFFFFF80  }
0x80: {  	_ =	swait.ge [sflag:s14], $0x80  }
0x81: {  	[sflag:s14] =	ssyncset.done $0x0  }
0x82: {  	[sflag:s14] =	ssyncadd.s32 $0xFFFFFF80  }
0x83: {  	_ =	swait.ge [sflag:s14], $0x80  }
0x84: {  	[sflag:s14] =	ssyncset.done $0x0  }
0x85: {  	[sflag:s14] =	ssyncadd.s32 $0xFFFFFF80  }
0x86: {  	_ =	swait.ge [sflag:s14], $0x80  }
0x87: {  	[sflag:s14] =	ssyncset.done $0x0  }
0x88: {  	[sflag:s14] =	ssyncadd.s32 $0xFFFFFF80  }
0x89: {  	_ =	swait.ge [sflag:s14], $0x80  }
0x8a: {  	[sflag:s14] =	ssyncset.done $0x0  }
0x8b: {  	[sflag:s14] =	ssyncadd.s32 $0xFFFFFF80  }
0x8c: {  	_ =	swait.ge [sflag:s14], $0x80  }
0x8d: {  	[sflag:s14] =	ssyncset.done $0x0  }
0x8e: {  	s20 =	simm.s32 @!p0 $0x0;
	s21 =	simm.s32 @!p0 $0x5600;
	[sflag:s14] =	ssyncadd.s32 $0xFFFFFF80  }
0x8f: {  	[tilespmem:s21], [sflag:$0x3] =	stream.linear.gather @!p0 [hbm4b:s6+s20], $0x100, $0x38;
	[tilespmem:$0x5C80] =	vst v63  }
0x90: {  	s20 =	simm.s32 @!p0 $0x3  }
0x91: {  	_ =	swait.ge @!p0 [sflag:s20], $0x100  }
0x92: {  	s22 =	simm.s32 @!p0 $0x5700;
	[sflag:s20] =	ssyncset.done @!p0 $0x0  }
0x93: {  	s21 =	simm.s32 @!p0 $0x5680;
	[sflag:s20] =	ssyncadd.s32 @!p0 $0xFFFFFF00;
	s20 =	simm.s32 @!p0 $0x80  }
0x94: {  	[spmem:s2] =	stream.indirect.scatter.add.f32 @!p0 [tilespmem:s22], [sflag:$0x2], $0x1, s21, s20, $0xb8;
	[tilespmem:$0x5C80] =	vst v63  }
0x95: {  	s20 =	simm.s32 @!p0 $0x2  }
0x96: {  	_ =	swait.ge @!p0 [sflag:s20], $0x80  }
0x97: {  	s19 =	sadd.s32 $0x1, s19;
	[sflag:s20] =	ssyncset.done @!p0 $0x0  }
0x98: {  	p1 =	sne.s32 s19, s8;
	[sflag:s20] =	ssyncadd.s32 @!p0 $0xFFFFFF80  }
.Ltmp1:
0x99: {  	[bflag:$0x0] =	sbarrier.arrive $0xFFFF;
	(pc) =	sbr.rel @p1 .LBB2_1-.Ltmp1, $4  }
0x9a: {  	[hbm:s7@s17], [sflag:s15] =	dma.strided [spmem:s16@s18], $0x50, s11, $0x10   }
0x9b: {  	_ =	swait.ge [sflag:s10], $0x50  }
0x9c: {  	[sflag:s10] =	ssyncset.done $0x0  }
0x9d: {  	[sflag:s10] =	ssyncadd.s32 $0xFFFFFFB0  }
0x9e: {  	_ =	sfence.sel $0x180000  }
0x9f: {  	[bflag:$0x0] =	sbarrier.arrive $0xFFFF  }
0xa0: {  	p0 =	sne.s32 s0, $0x0;
	_ =	strace $0x90000047  }
0xa1: {  	s0 =	sadd.s32 @!p0 $0x100000, s1;
	[bflag:$0x2] =	sbarrier.arrive $0xFFFF  }
0xa2: {  	[sflag:s0] =	ssyncadd.tile.s32 @!p0 $0x1;
	_ =	shalt  }
.Lfunc_end2:
_tile_overlayer_lowered:
.L_overlay_start_2:
0xa3: {  	(tag) =	ssettag $0x2  }
0xa4: {  	s0 =	rddreg [dreg:$0x0];
	s2 =	stileid.u32  }
0xa5: {  	s1 =	rddreg [dreg:$0x1];
	p0 =	sne.s32 s2, $0x0  }
0xa6: {  	s3 =	rddreg [dreg:$0x2];
	[bflag:$0x3] =	sbarrier.arrive $0xFFFF;
	s2 =	simm.s32 @!p0 $0x1C03  }
0xa7: {  	[timem:s3], [sflag:s2] =	dma.local @!p0 [hbm:s0], s1  }
0xa8: {  	s0 =	simm.s32 @!p0 $0x3  }
0xa9: {  	_ =	swait.ge @!p0 [sflag:s0], s1  }
0xaa: {  	s1 =	ssub.s32 @!p0 $0x0, s1;
	[sflag:s0] =	ssyncset.done @!p0 $0x0  }
0xab: {  	[sflag:s0] =	ssyncadd.s32 @!p0 s1  }
0xac: {  	[bflag:$0x3] =	sbarrier.arrive $0xFFFF  }
0xad: {  	_ =	shalt  }

// kernel: kernel.9.cloned.1.call-start
scs
__scs_entry_jumppad:
0x0: {  	(pc) =	sbr.rel $0x88, $3  }
0x1: {  	(tag) =	ssettag $0x0;
	lr =	simm.s32 $0x1  }
0x2: {  	[smem:$0x3F9D] =	sst lr;
	_ =	strace $0xD0000000  }
0x3: {  	_ = 	snop  }
0x4: {  	_ = 	snop  }
0x5: {  	_ = 	snop  }
0x6: {  	_ = 	snop  }
0x7: {  	_ = 	snop  }
__scs_overlays_trampoline_lowered:
0x8: {  	[smem:$0x3FAC] =	sst s0  }
0x9: {  	[smem:$0x3FAD] =	sst s1  }
0xa: {  	[smem:$0x3FAE] =	sst s2  }
0xb: {  	[smem:$0x3FAF] =	sst s3  }
0xc: {  	[smem:$0x3FB0] =	sst s4  }
0xd: {  	[smem:$0x3FB1] =	sst s5  }
0xe: {  	[smem:$0x3FB2] =	sst s6  }
0xf: {  	[smem:$0x3FB3] =	sst s7  }
0x10: {  	[smem:$0x3FB4] =	sst s8  }
0x11: {  	[smem:$0x3FB5] =	sst s9;
	s0 =	simm.s32 @!p0 $0x0  }
0x12: {  	s1 =	sld [smem:$0x3F9B];
	s0 =	simm.s32 @p0 $0x1  }
0x13: {  	[smem:$0x3FB6] =	sst s0;
	s0 =	simm.s32 @!p1 $0x0  }
0x14: {  	s2 =	sld [smem:$0x3F9A];
	s0 =	simm.s32 @p1 $0x1  }
0x15: {  	[smem:$0x3FB7] =	sst s0;
	s0 =	simm.s32 @!p2 $0x0  }
0x16: {  	s3 =	sld [smem:$0x3FDB];
	s0 =	simm.s32 @p2 $0x1  }
0x17: {  	s4 =	simm.s32 $0x1BF5;
	[smem:$0x3FB9] =	sst s0  }
0x18: {  	s0 =	sld [smem:$0x3F9C];
	_ =	swait.ge [sflag:s4], $0x0  }
0x19: {  	s7 =	sld [smem:$0x3F9D]  }
0x1a: {  	s8 =	sadd.s32 $0xFFFFE003, lr  }
0x1b: {  	s9 =	sadd.s32 $0xFFFFFEF7, lr;
	s5 =	simm.s32 $0xFFFFFFFF;
	p2 =	slt.u32 s8, $0xFFFFF086  }
0x1c: {  	p1 =	slt.u32 s9, $0xF7A;
	s5 =	simm.s32 @!p2 $0x0  }
0x1d: {  	s5 =	simm.s32 @p1 $0x1;
	p0 =	seq.s32 s7, s2  }
0x1e: {  	s7 =	smul.u32 @!p0 $0xF7A, s2;
	p2 =	seq.s32 @!p0 s5, $0x0  }
0x1f: {  	s9 =	smul.u32 $0xF7A, s1;
	s8 =	simm.s32 @!p0 $0x1BF5;
	p2 =	por !p2, p0  }
0x20: {  	[sflag:s8] =	ssyncset.s32 @!p0 $0xFFFFF086;
	s6 =	sadd.s32 @!p0 s3, s7;
	s7 =	simm.s32 @!p0 $0x108  }
0x21: {  	s3 =	sadd.s32 s3, s9;
	s6 =	sadd.s32 @!p0 $0x88, s6;
	s7 =	simm.s32 @p2 $0x1082  }
0x22: {  	[simem:s7], [sflag:s8] =	dma.local @!p0 [hbm:s6], $0xF7A  }
0x23: {  	s9 =	sor.u32 $0xD0000000, s2;
	s6 =	simm.s32 $0x108;
	_ =	swait.ge @!p0 [sflag:s8], $0x0  }
0x24: {  	s3 =	sadd.s32 $0x88, s3;
	s6 =	simm.s32 @!p1 $0x1082;
	[sflag:s4] =	ssyncset.s32 $0xFFFFF086  }
0x25: {  	[simem:s6], [sflag:s4] =	dma.local [hbm:s3], $0xF7A  }
0x26: {  	[smem:$0x3F9D] =	sst s1;
	(tag) =	ssettag s2;
	_ =	strace s9  }
0x27: {  	s1 =	sld [smem:$0x3FAD]  }
0x28: {  	s2 =	sld [smem:$0x3FAE]  }
0x29: {  	s4 =	sld [smem:$0x3FB0]  }
0x2a: {  	p0 =	seq.s32 s5, $0x0;
	s5 =	sld [smem:$0x3FB1]  }
0x2b: {  	s6 =	sld [smem:$0x3FB2]  }
0x2c: {  	s7 =	sld [smem:$0x3FB3]  }
0x2d: {  	s3 =	simm.s32 $0x108;
	s8 =	sld [smem:$0x3FB4]  }
0x2e: {  	s3 =	simm.s32 @!p0 $0x1082;
	s9 =	sld [smem:$0x3FB5]  }
0x2f: {  	lr =	sadd.s32 s0, s3;
	s0 =	sld [smem:$0x3FAC]  }
0x30: {  	s3 =	sld [smem:$0x3FAF]  }
0x31: {  	[smem:$0x3FB8] =	sst s10  }
0x32: {  	s10 =	sld [smem:$0x3FB6];
	_ =	sdelay $0x3  }
0x33: {  	p0 =	seq.s32 s10, $0x1;
	s10 =	sld [smem:$0x3FB8];
	_ =	sdelay $0x3  }
0x34: {  	[smem:$0x3FB8] =	sst s10  }
0x35: {  	s10 =	sld [smem:$0x3FB7];
	_ =	sdelay $0x3  }
0x36: {  	p1 =	seq.s32 s10, $0x1;
	s10 =	sld [smem:$0x3FB8];
	_ =	sdelay $0x3  }
0x37: {  	[smem:$0x3FB8] =	sst s10  }
0x38: {  	s10 =	sld [smem:$0x3FB9]  }
0x39: {  	_ = 	snop;
	(pc) =	sbr.ind lr, $3  }
0x3a: {  	_ = 	snop  }
0x3b: {  	_ = 	snop  }
0x3c: {  	p2 =	seq.s32 s10, $0x1;
	s10 =	sld [smem:$0x3FB8]  }
0x3d: {  	_ =	shalt  }
0x3e: {  	_ =	shalt  }
0x3f: {  	_ =	shalt  }
0x40: {  	_ =	shalt  }
0x41: {  	_ =	shalt  }
0x42: {  	_ =	shalt  }
0x43: {  	_ =	shalt  }
0x44: {  	_ =	shalt  }
0x45: {  	_ =	shalt  }
0x46: {  	_ =	shalt  }
0x47: {  	_ =	shalt  }
0x48: {  	_ =	shalt  }
0x49: {  	_ =	shalt  }
0x4a: {  	_ =	shalt  }
0x4b: {  	_ =	shalt  }
0x4c: {  	_ =	shalt  }
0x4d: {  	_ =	shalt  }
0x4e: {  	_ =	shalt  }
0x4f: {  	_ =	shalt  }
0x50: {  	_ =	shalt  }
0x51: {  	_ =	shalt  }
0x52: {  	_ =	shalt  }
0x53: {  	_ =	shalt  }
0x54: {  	_ =	shalt  }
0x55: {  	_ =	shalt  }
0x56: {  	_ =	shalt  }
0x57: {  	_ =	shalt  }
0x58: {  	_ =	shalt  }
0x59: {  	_ =	shalt  }
0x5a: {  	_ =	shalt  }
0x5b: {  	_ =	shalt  }
0x5c: {  	_ =	shalt  }
0x5d: {  	_ =	shalt  }
0x5e: {  	_ =	shalt  }
0x5f: {  	_ =	shalt  }
0x60: {  	_ =	shalt  }
0x61: {  	_ =	shalt  }
0x62: {  	_ =	shalt  }
0x63: {  	_ =	shalt  }
0x64: {  	_ =	shalt  }
0x65: {  	_ =	shalt  }
0x66: {  	_ =	shalt  }
0x67: {  	_ =	shalt  }
0x68: {  	_ =	shalt  }
0x69: {  	_ =	shalt  }
0x6a: {  	_ =	shalt  }
0x6b: {  	_ =	shalt  }
0x6c: {  	_ =	shalt  }
0x6d: {  	_ =	shalt  }
0x6e: {  	_ =	shalt  }
0x6f: {  	_ =	shalt  }
0x70: {  	_ =	shalt  }
0x71: {  	_ =	shalt  }
0x72: {  	_ =	shalt  }
0x73: {  	_ =	shalt  }
0x74: {  	_ =	shalt  }
0x75: {  	_ =	shalt  }
0x76: {  	_ =	shalt  }
0x77: {  	_ =	shalt  }
0x78: {  	_ =	shalt  }
0x79: {  	_ =	shalt  }
0x7a: {  	_ =	shalt  }
0x7b: {  	_ =	shalt  }
0x7c: {  	_ =	shalt  }
0x7d: {  	_ =	shalt  }
0x7e: {  	_ =	shalt  }
0x7f: {  	_ =	shalt  }
0x80: {  	_ =	shalt  }
0x81: {  	_ =	shalt  }
0x82: {  	_ =	shalt  }
0x83: {  	_ =	shalt  }
0x84: {  	_ =	shalt  }
0x85: {  	_ =	shalt  }
0x86: {  	_ =	shalt  }
0x87: {  	_ =	shalt  }
.Lfunc_end0:
.L_simem_size_0:
called_computation.1_lowered:
.L_overlay_start_0:
0x88: {  	s2 =	sld [smem:$0x3FD9]  }
0x89: {  	s3 =	sld [smem:$0x3FFE];
	_ =	sdelay $0x1  }
0x8a: {  	s1 =	srdreg.scid  }
0x8b: {  	s0 =	sand.u32 $0x1, s1  }
0x8c: {  	s17 =	sshll.u32 s0, $0xA;
	s2 =	sadd.s32 s3, s2  }
0x8d: {  	s2 =	sadd.s32 s2, s17  }
0x8e: {  	[smem:$0x3FC4] =	sst s2  }
0x8f: {  	_ = 	snop  }
0x90: {  	s2 =	sld [smem:$0x3FC8];
	(tm) =	ssettm $0x1  }
0x91: {  	s18 =	sld [smem:$0x3FFB];
	_ =	sdelay $0x3  }
0x92: {  	_ =	strace s18  }
0x93: {  	s3 =	sld [smem:$0x3FFC];
	_ =	sdelay $0x3  }
0x94: {  	_ =	strace s3  }
0x95: {  	s3 =	sld [smem:$0x3FFD];
	_ =	sdelay $0x3  }
0x96: {  	_ =	strace s3  }
0x97: {  	_ =	strace $0x8FFFFFFF  }
0x98: {  	s19 =	sld [smem:$0x3FDB];
	_ =	sdelay $0x1  }
0x99: {  	s4 =	simm.s32 $_scs_section_size  }
0x9a: {  	s5 =	simm.s32 $_size__tile_overlayer_lowered;
	s6 =	simm.s32 $_tile_overlayer_lowered  }
0x9b: {  	s22 =	simm.s32 $0x1BFF;
	s21 =	sshll.u32 s6, $0x1;
	s3 =	sadd.s32 s4, s19  }
0x9c: {  	s7 =	simm.s32 $0x0;
	s20 =	sshll.u32 s5, $0x1;
	s5 =	sadd.s32 s21, s3  }
0x9d: {  	[timem:s7], [sflag:s22] =	dma.local [hbm:s5], s20  }
0x9e: {  	_ =	swait.ge [sflag:s22], s20  }
0x9f: {  	s4 =	ssub.s32 $0x0, s20;
	[sflag:s22] =	ssyncset.done $0x0  }
0xa0: {  	[sflag:s22] =	ssyncadd.s32 s4;
	_ =	sdelay $0x1  }
0xa1: {  	s23 =	simm.s32 $0x1B8B  }
0xa2: {  	_ =	swait.ge [sflag:s23], $0x1  }
0xa3: {  	[sflag:s23] =	ssyncset.done $0x0  }
0xa4: {  	s25 =	simm.s32 $0x1B8E;
	s24 =	sld [smem:$0x3FFE];
	[sflag:s23] =	ssyncadd.s32 $0xFFFFFFFF  }
0xa5: {  	s26 =	simm.s32 $execute0_lowered;
	[smem:$0x3FD2] =	sst s25  }
0xa6: {  	s5 =	sshll.u32 s26, $0x1;
	_ =	strace $0x80000049;
	[dreg:$0x1] =	wrdreg $0xFFFFFFFF  }
0xa7: {  	s28 =	simm.s32 $_size_execute0_lowered;
	s3 =	sadd.s32 s3, s5;
	[dreg:$0x0] =	wrdreg $0x0  }
0xa8: {  	s5 =	sshll.u32 s28, $0x1;
	[dreg:$0x2] =	wrdreg s3  }
0xa9: {  	[dreg:$0x3] =	wrdreg s5  }
0xaa: {  	[dreg:$0x4] =	wrdreg $0xC0  }
0xab: {  	_ =	task [dreg:s7], $0x5FFFF  }
0xac: {  	[dreg:$0x1] =	wrdreg $0xFFFFFFFF  }
0xad: {  	[dreg:$0x0] =	wrdreg $0x60  }
0xae: {  	[dreg:$0x2] =	wrdreg s24  }
0xaf: {  	[dreg:$0x3] =	wrdreg s2  }
0xb0: {  	[dreg:$0x4] =	wrdreg $0x85000  }
0xb1: {  	[dreg:$0x5] =	wrdreg $0x9  }
0xb2: {  	_ =	task.clear_ibuf [dreg:s7], $0x6FFFF;
	_ =	strace $0x90000049  }
0xb3: {  	s29 =	simm.s32 $0x9;
	_ =	strace $0x8000004B  }
0xb4: {  	_ =	swait.ge [sflag:s29], $0x1  }
0xb5: {  	[sflag:s29] =	ssyncadd.s32 $0xFFFFFFFF  }
0xb6: {  	_ =	strace $0x9000004B  }
0xb7: {  	_ =	sfence  }
0xb8: {  	s30 =	sld [smem:$0x0];
	_ =	sdelay $0x2  }
0xb9: {  	s31 =	sshll.u32 s1, $0xD;
	s1 =	sshrl.u32 s1, $0x2  }
0xba: {  	s3 =	sand.u32 $0x4000, s31;
	s1 =	sadd.s32 s1, s30  }
0xbb: {  	s0 =	sor.u32 s3, s0;
	s1 =	sshll.u32 s1, $0x11  }
0xbc: {  	s0 =	sor.u32 s1, s0  }
0xbd: {  	s0 =	sadd.s32 $0x8F2B, s0  }
0xbe: {  	[sflag:s0] =	ssyncadd.remote.s32 $0x1  }
0xbf: {  	_ =	sfence.sel $0xFFFF  }
0xc0: {  	[dreg:$0x0] =	wrdreg $0xFFFFFFFF;
	(pc) =	sbr.abs _section_cstart, $3  }
0xc1: {  	[dreg:$0x1] =	wrdreg $0xFFFFFFFF  }
0xc2: {  	_ =	task.clear_ibuf [dreg:s7], $0x2FFFF;
	_ =	strace $0x9FFFFFFF  }
0xc3: {  	(tm) =	ssettm $0x7FFFFFFF  }
tec
execute0_lowered:
.L_overlay_start_1:
0x0: {  	(tag) =	ssettag $0x1  }
0x1: {  	s0 =	rddreg [dreg:$0x0]  }
0x2: {  	s2 =	rddreg [dreg:$0x1]  }
0x3: {  	s1 =	rddreg [dreg:$0x2];
	s22 =	stileid.u32  }
0x4: {  	s3 =	srdreg.scid;
	s6 =	smul.u32 $0x14000, s22  }
0x5: {  	s28 =	simm.s32 $0x2;
	s29 =	simm.s32 $0x80;
	s17 =	smul.u32 $0x50000, s22  }
0x6: {  	s30 =	simm.s32 $0x400;
	s8 =	sand.u32 $0x1, s3;
	s19 =	smul.u32 $0x280, s22  }
0x7: {  	s3 =	simm.s32 $0x0;
	s4 =	sadd.s32 $0x1400, s0;
	s23 =	smul.u32 $0x2800, s22  }
0x8: {  	s16 =	sshll.u32 s22, $0x1;
	s12 =	sadd.s32 $0x20, s2;
	s15 =	smul.u32 $0x9C, s22  }
0x9: {  	p1 =	sgt.u32 s22, $0x1;
	s5 =	smul.u32 $0x140000, s8;
	[smem:$0x7FF] =	sst s3  }
0xa: {  	s7 =	ssub.s32 $0x2, s8;
	s9 =	sor.u32 s8, s16;
	s16 =	smul.u32 $0x4E, s8  }
0xb: {  	p0 =	sne.s32 s8, $0x0;
	_ =	strace $0x8000004A;
	s10 =	sshrl.u32 s7, $0x1  }
0xc: {  	s11 =	smul.u32 $0x9C0, s9;
	s24 =	sadd.s32 $0x80, s19;
	s5 =	sadd.s32 s6, s5  }
0xd: {  	s10 =	ssub.s32 s7, s10;
	s6 =	sshrl.u32 s17, $0x2;
	s25 =	sshll.u32 s24, $0x7  }
0xe: {  	s17 =	sadd.s32 $0x100, s19;
	s15 =	sadd.s32 s16, s15;
	s5 =	sshrl.u32 s5, $0x3  }
0xf: {  	s6 =	sadd.s32 s6, s1;
	s7 =	sadd.s32 s11, s12;
	s26 =	sshll.u32 s17, $0x7  }
0x10: {  	s17 =	sshll.u32 s17, $0x4;
	s15 =	sshll.u32 s15, $0x5;
	s0 =	sadd.s32 s5, s0  }
0x11: {  	s5 =	sadd.s32 s2, s11;
	s18 =	sadd.s32 $0x4000, s6;
	s13 =	sadd.s32 $0x8000, s6  }
0x12: {  	s21 =	sadd.s32 $0xC000, s6;
	s14 =	sadd.s32 $0x10000, s6;
	[dreg:$0x4] =	wrdreg s18  }
0x13: {  	s31 =	sadd.s32 s26, s1;
	s17 =	sadd.s32 s4, s17;
	[dreg:$0x5] =	wrdreg s13  }
0x14: {  	s12 =	sadd.s32 s12, s15;
	s11 =	sadd.s32 $0x200, s19;
	[dreg:$0x6] =	wrdreg s21  }
0x15: {  	[dreg:$0x7] =	wrdreg s14;
	s13 =	sadd.s32 s4, s23;
	s18 =	smul.u32 $0x4E00, s9  }
0x16: {  	s14 =	sshll.u32 s24, $0x4;
	s9 =	sshll.u32 s9, $0x5;
	s21 =	sadd.s32 $0x180, s19  }
0x17: {  	[dreg:$0xa] =	wrdreg s17;
	s24 =	sshll.u32 s11, $0x7;
	s11 =	sshll.u32 s11, $0x4  }
0x18: {  	s19 =	sadd.s32 $0x29400, s0;
	s31 =	sshrl.u32 s31, $0x3;
	s0 =	simm.s32 $0x4400  }
0x19: {  	[dreg:$0x8] =	wrdreg s13;
	s13 =	sadd.s32 s25, s1;
	s14 =	sadd.s32 s4, s14  }
0x1a: {  	s23 =	sshll.u32 s21, $0x7;
	s8 =	sadd.s32 s24, s1;
	[dreg:$0xe] =	wrdreg s31  }
0x1b: {  	s25 =	sadd.s32 s4, s11;
	s11 =	simm.s32 $0x4;
	[dreg:$0x9] =	wrdreg s14  }
0x1c: {  	s20 =	sshrl.u32 s18, $0x3;
	s15 =	sadd.s32 s23, s1;
	[dreg:$0xc] =	wrdreg s25  }
0x1d: {  	s26 =	sshrl.u32 s13, $0x3;
	s25 =	sshrl.u32 s8, $0x3;
	s8 =	simm.s32 $0x3  }
0x1e: {  	s16 =	sadd.s32 s2, s20;
	s2 =	sadd.s32 s9, s2;
	s9 =	sshll.u32 s21, $0x4  }
0x1f: {  	s20 =	smax.u32 s10, $0x1;
	s21 =	sadd.s32 $0x40, s12;
	[dreg:$0xd] =	wrdreg s26  }
0x20: {  	s24 =	sshrl.u32 s15, $0x3;
	s26 =	simm.s32 $0x100;
	s10 =	simm.s32 $0x180  }
0x21: {  	s12 =	simm.s32 $0x0;
	s9 =	sadd.s32 s4, s9;
	s17 =	sadd.s32 $0x40, s16  }
0x22: {  	v0 =	vimm.f32 $0.0e+00;
	s18 =	sadd.s32 $0x13800, s2;
	[dreg:$0xb] =	wrdreg s9;
	s9 =	simm.s32 $0x1  }
.LBB2_1:
.Ltmp0:
0x23: {  	(pc) =	sbr.rel @p0 .LBB2_3-.Ltmp0, $4  }
0x24: {  	[tilespmem:s3], [sflag:$0x1] =	stream.linear.gather [hbm4b:s5+s3], $0x100, $0x38;
	[tilespmem:$0x1C500] =	vst v63  }
0x25: {  	s2 =	stileid.u32  }
0x26: {  	s14 =	sshrl.u32 s6, $0x3;
	s13 =	sshll.u32 s2, $0x6  }
0x27: {  	[tilespmem:s26], [sflag:$0x1] =	stream.linear.gather [hbm4b:s7+s3], $0x100, $0x38;
	[tilespmem:$0x1C500] =	vst v63  }
0x28: {  	s2 =	sor.u32 $0x1C02, s13;
	s15 =	rddreg [dreg:$0x8]  }
0x29: {  	[spmem:s14], [sflag:s2] =	dma.local [hbm:s15], $0x800  }
0x2a: {  	s15 =	rddreg [dreg:$0x9]  }
0x2b: {  	s16 =	rddreg [dreg:$0xd]  }
0x2c: {  	[spmem:s16], [sflag:s2] =	dma.local [hbm:s15], $0x800  }
0x2d: {  	s15 =	rddreg [dreg:$0xa]  }
0x2e: {  	s16 =	rddreg [dreg:$0xe]  }
0x2f: {  	[spmem:s16], [sflag:s2] =	dma.local [hbm:s15], $0x800  }
0x30: {  	s15 =	rddreg [dreg:$0xb]  }
0x31: {  	[spmem:s24], [sflag:s2] =	dma.local [hbm:s15], $0x800  }
0x32: {  	s15 =	rddreg [dreg:$0xc]  }
0x33: {  	[spmem:s25], [sflag:s2] =	dma.local [hbm:s15], $0x800  }
0x34: {  	_ =	swait.ge [sflag:s28], $0x800  }
0x35: {  	[sflag:s28] =	ssyncset.done $0x0  }
0x36: {  	[sflag:s28] =	ssyncadd.s32 $0xFFFFF800  }
0x37: {  	_ =	swait.ge [sflag:s28], $0x800  }
0x38: {  	[sflag:s28] =	ssyncset.done $0x0  }
0x39: {  	[sflag:s28] =	ssyncadd.s32 $0xFFFFF800  }
0x3a: {  	_ =	swait.ge [sflag:s28], $0x800  }
0x3b: {  	[sflag:s28] =	ssyncset.done $0x0  }
0x3c: {  	[sflag:s28] =	ssyncadd.s32 $0xFFFFF800  }
0x3d: {  	_ =	swait.ge [sflag:s28], $0x800  }
.Ltmp1:
0x3e: {  	[sflag:s28] =	ssyncset.done $0x0;
	(pc) =	sbr.rel .LBB2_6-.Ltmp1, $4  }
0x3f: {  	[sflag:s28] =	ssyncadd.s32 $0xFFFFF800  }
0x40: {  	_ =	swait.ge [sflag:s28], $0x800  }
0x41: {  	[sflag:s28] =	ssyncset.done $0x0  }
0x42: {  	[sflag:s28] =	ssyncadd.s32 $0xFFFFF800  }
.LBB2_3:
0x43: {  	s2 =	sand.u32 $0xFE00, s3  }
0x44: {  	s15 =	sand.u32 $0x70, s3;
	s16 =	sshrl.u32 s2, $0x2  }
0x45: {  	s2 =	simm.s32 $0x40;
	s16 =	sor.u32 s15, s16;
	s15 =	simm.s32 $0x0  }
.LBB2_4:
0x46: {  	p2 =	sne.s32 s2, $0xFFC0  }
0x47: {  	[tilespmem:s16+$0x4400] =	vst v0;
	s15 =	sadd.s32 $0x10, s15;
	s16 =	smov.u32 s2;
	s2 =	sadd.s32 $0x40, s2  }
.Ltmp2:
0x48: {  	(pc) =	sbr.rel @p2 .LBB2_4-.Ltmp2, $4  }
0x49: {  	_ = 	snop  }
0x4a: {  	s16 =	sand.u32 $0xFE00, s16  }
0x4b: {  	s22 =	sand.u32 $0x70, s15;
	s16 =	sshrl.u32 s16, $0x2  }
0x4c: {  	s16 =	sor.u32 s22, s16  }
0x4d: {  	[tilespmem:s16+$0x4400] =	vst v0  }
0x4e: {  	[spmem:s6] =	stream.linear.scatter [tilespmem:s0], [sflag:$0x2], $0x4000, $0x38;
	[tilespmem:$0x1C500] =	vst v63  }
0x4f: {  	s2 =	rddreg [dreg:$0x4]  }
0x50: {  	[spmem:s2] =	stream.linear.scatter [tilespmem:s0], [sflag:$0x2], $0x4000, $0x38;
	[tilespmem:$0x1C500] =	vst v63  }
0x51: {  	s22 =	rddreg [dreg:$0x5]  }
0x52: {  	[spmem:s22] =	stream.linear.scatter [tilespmem:s0], [sflag:$0x2], $0x4000, $0x38;
	[tilespmem:$0x1C500] =	vst v63  }
0x53: {  	s23 =	rddreg [dreg:$0x6]  }
0x54: {  	[spmem:s23] =	stream.linear.scatter [tilespmem:s0], [sflag:$0x2], $0x4000, $0x38;
	[tilespmem:$0x1C500] =	vst v63  }
0x55: {  	s31 =	rddreg [dreg:$0x7]  }
0x56: {  	[spmem:s31] =	stream.linear.scatter [tilespmem:s0], [sflag:$0x2], $0x4000, $0x38;
	[tilespmem:$0x1C500] =	vst v63  }
0x57: {  	_ =	swait.ge [sflag:s28], $0x4000  }
0x58: {  	[sflag:s28] =	ssyncset.done $0x0  }
0x59: {  	[sflag:s28] =	ssyncadd.s32 $0xFFFFC000  }
0x5a: {  	_ =	swait.ge [sflag:s28], $0x4000  }
0x5b: {  	[sflag:s28] =	ssyncset.done $0x0  }
0x5c: {  	[sflag:s28] =	ssyncadd.s32 $0xFFFFC000  }
0x5d: {  	_ =	swait.ge [sflag:s28], $0x4000  }
0x5e: {  	[sflag:s28] =	ssyncset.done $0x0  }
0x5f: {  	[sflag:s28] =	ssyncadd.s32 $0xFFFFC000  }
0x60: {  	_ =	swait.ge [sflag:s28], $0x4000  }
0x61: {  	[sflag:s28] =	ssyncset.done $0x0  }
0x62: {  	[sflag:s28] =	ssyncadd.s32 $0xFFFFC000  }
0x63: {  	_ =	swait.ge [sflag:s28], $0x4000  }
0x64: {  	[sflag:s28] =	ssyncset.done $0x0  }
0x65: {  	[sflag:s28] =	ssyncadd.s32 $0xFFFFC000  }
.LBB2_6:
0x66: {  	[bflag:$0x0] =	sbarrier.arrive $0xFFFF;
	s2 =	simm.s32 $0x1  }
0x67: {  	_ =	swait.ge [sflag:s2], $0x100  }
0x68: {  	[sflag:s2] =	ssyncset.done $0x0  }
0x69: {  	[sflag:s2] =	ssyncadd.s32 $0xFFFFFF00  }
0x6a: {  	[tilespmem:s30], [sflag:$0x2] =	stream.indirect.gather [hbm4b:s4+s29], $0x80, s3, s29, $0xb8;
	[tilespmem:$0x1C500] =	vst v63  }
0x6b: {  	_ =	swait.ge [sflag:s28], $0x4000  }
0x6c: {  	[sflag:s28] =	ssyncset.done $0x0  }
0x6d: {  	[sflag:s28] =	ssyncadd.s32 $0xFFFFC000  }
0x6e: {  	[spmem:s1] =	stream.indirect.scatter.add.f32 [tilespmem:s30], [sflag:$0x3], $0x80, s29, s29, $0xb8;
	[tilespmem:$0x1C500] =	vst v63  }
0x6f: {  	s15 =	simm.s32 $0x200  }
0x70: {  	[tilespmem:s15], [sflag:$0x1] =	stream.linear.gather [hbm4b:s17+s3], $0x100, $0x38;
	[tilespmem:$0x1C500] =	vst v63  }
0x71: {  	_ =	swait.ge [sflag:s2], $0x100  }
0x72: {  	[sflag:s2] =	ssyncset.done $0x0  }
0x73: {  	s16 =	simm.s32 $0x400;
	[sflag:s2] =	ssyncadd.s32 $0xFFFFFF00  }
0x74: {  	[tilespmem:s0], [sflag:$0x2] =	stream.indirect.gather [hbm4b:s4+s29], $0x80, s26, s29, $0xb8;
	[tilespmem:$0x1C500] =	vst v63  }
0x75: {  	s22 =	simm.s32 $0x4000;
	s2 =	sand.u32 $0xC00, s16;
	_ =	swait.ge [sflag:s28], $0x4000  }
0x76: {  	s22 =	sand.u32 $0x4000, s22;
	s2 =	sshrl.u32 s2, $0x2;
	[sflag:s28] =	ssyncset.done $0x0  }
0x77: {  	s15 =	sor.u32 $0x400, s22;
	s2 =	sor.u32 $0x80, s2;
	[sflag:s28] =	ssyncadd.s32 $0xFFFFC000  }
0x78: {  	[spmem:s1] =	stream.indirect.scatter.add.f32 [tilespmem:s15], [sflag:$0x3], $0x80, s2, s29, $0xb8;
	[tilespmem:$0x1C500] =	vst v63  }
0x79: {  	s23 =	simm.s32 $0xC00;
	_ =	swait.ge [sflag:s8], $0x4000  }
0x7a: {  	s31 =	sand.u32 $0xC00, s23;
	[sflag:s8] =	ssyncset.done $0x0  }
0x7b: {  	s16 =	simm.s32 $0x800;
	s15 =	sshrl.u32 s31, $0x2;
	[sflag:s8] =	ssyncadd.s32 $0xFFFFC000  }
0x7c: {  	[tilespmem:s15], [sflag:$0x1] =	stream.linear.gather [hbm4b:s21+s3], $0x100, $0x38;
	[tilespmem:$0x1C500] =	vst v63  }
0x7d: {  	s22 =	sxor.u32 $0x4400, s22;
	s23 =	sand.u32 $0xC00, s16;
	_ =	swait.ge [sflag:s9], $0x100  }
0x7e: {  	s16 =	simm.s32 $0x1000;
	s23 =	sshrl.u32 s23, $0x2;
	[sflag:s9] =	ssyncset.done $0x0  }
0x7f: {  	s2 =	simm.s32 $0x2;
	s15 =	sadd.s32 $0x20, s21;
	[sflag:s9] =	ssyncadd.s32 $0xFFFFFF00  }
.LBB2_7:
0x80: {  	[tilespmem:s22], [sflag:$0x2] =	stream.indirect.gather [hbm4b:s4+s29], $0x80, s23, s29, $0xb8;
	[tilespmem:$0x1C500] =	vst v63  }
0x81: {  	s22 =	smov.u32 s2  }
0x82: {  	s23 =	sadd.s32 $0xFFFFF800, s16;
	p2 =	sne.s32 s2, $0x4B;
	s2 =	sadd.s32 $0x1, s2  }
0x83: {  	s22 =	sshll.u32 s22, $0xE;
	s23 =	sand.u32 $0xC00, s23;
	_ =	swait.ge [sflag:s28], $0x4000  }
0x84: {  	s22 =	sand.u32 $0x4000, s22;
	s23 =	sshrl.u32 s23, $0x2;
	[sflag:s28] =	ssyncset.done $0x0  }
0x85: {  	s31 =	sor.u32 $0x400, s22;
	s23 =	sor.u32 $0x80, s23;
	[sflag:s28] =	ssyncadd.s32 $0xFFFFC000  }
0x86: {  	[spmem:s1] =	stream.indirect.scatter.add.f32 [tilespmem:s31], [sflag:$0x3], $0x80, s23, s29, $0xb8;
	[tilespmem:$0x1C500] =	vst v63  }
0x87: {  	_ =	swait.ge [sflag:s8], $0x4000  }
0x88: {  	s23 =	sand.u32 $0xC00, s16;
	[sflag:s8] =	ssyncset.done $0x0  }
.Ltmp3:
0x89: {  	s23 =	sshrl.u32 s23, $0x2;
	[sflag:s8] =	ssyncadd.s32 $0xFFFFC000;
	(pc) =	sbr.rel @p2 .LBB2_7-.Ltmp3, $4  }
0x8a: {  	[tilespmem:s23], [sflag:$0x1] =	stream.linear.gather [hbm4b:s15+s3], $0x100, $0x38;
	[tilespmem:$0x1C500] =	vst v63  }
0x8b: {  	s23 =	sadd.s32 $0xFFFFFC00, s16;
	s15 =	sadd.s32 $0x20, s15;
	_ =	swait.ge [sflag:s9], $0x100  }
0x8c: {  	s16 =	sadd.s32 $0x400, s16;
	s23 =	sand.u32 $0xC00, s23;
	[sflag:s9] =	ssyncset.done $0x0  }
0x8d: {  	s22 =	sxor.u32 $0x4400, s22;
	s23 =	sshrl.u32 s23, $0x2;
	[sflag:s9] =	ssyncadd.s32 $0xFFFFFF00  }
0x8e: {  	[tilespmem:s22], [sflag:$0x2] =	stream.indirect.gather [hbm4b:s4+s29], $0x80, s23, s29, $0xb8;
	[tilespmem:$0x1C500] =	vst v63  }
0x8f: {  	_ =	swait.ge [sflag:s28], $0x4000  }
0x90: {  	[sflag:s28] =	ssyncset.done $0x0  }
0x91: {  	[sflag:s28] =	ssyncadd.s32 $0xFFFFC000  }
0x92: {  	[spmem:s1] =	stream.indirect.scatter.add.f32 [tilespmem:s30], [sflag:$0x3], $0x80, s29, s29, $0xb8;
	[tilespmem:$0x1C500] =	vst v63  }
0x93: {  	_ =	swait.ge [sflag:s8], $0x4000  }
0x94: {  	[sflag:s8] =	ssyncset.done $0x0  }
0x95: {  	[sflag:s8] =	ssyncadd.s32 $0xFFFFC000  }
0x96: {  	_ =	swait.ge [sflag:s9], $0x100  }
0x97: {  	[sflag:s9] =	ssyncset.done $0x0  }
0x98: {  	[sflag:s9] =	ssyncadd.s32 $0xFFFFFF00  }
0x99: {  	[tilespmem:s0], [sflag:$0x2] =	stream.indirect.gather [hbm4b:s4+s29], $0x80, s26, s29, $0xb8;
	[tilespmem:$0x1C500] =	vst v63  }
0x9a: {  	_ =	swait.ge [sflag:s28], $0x4000  }
0x9b: {  	[sflag:s28] =	ssyncset.done $0x0  }
0x9c: {  	[sflag:s28] =	ssyncadd.s32 $0xFFFFC000  }
0x9d: {  	[spmem:s1] =	stream.indirect.scatter.add.f32 [tilespmem:s0], [sflag:$0x3], $0x80, s10, s29, $0xb8;
	[tilespmem:$0x1C500] =	vst v63  }
0x9e: {  	_ =	swait.ge [sflag:s8], $0x4000  }
0x9f: {  	[sflag:s8] =	ssyncset.done $0x0  }
0xa0: {  	[sflag:s8] =	ssyncadd.s32 $0xFFFFC000  }
0xa1: {  	_ =	swait.ge [sflag:s8], $0x4000  }
0xa2: {  	[sflag:s8] =	ssyncset.done $0x0  }
0xa3: {  	s2 =	simm.s32 @!p1 $0x0;
	s15 =	simm.s32 @!p1 $0x8400;
	[sflag:s8] =	ssyncadd.s32 $0xFFFFC000  }
0xa4: {  	[tilespmem:s15], [sflag:$0x4] =	stream.linear.gather @!p1 [hbm4b:s18+s2], $0x100, $0x38;
	[tilespmem:$0x1C500] =	vst v63  }
0xa5: {  	s2 =	simm.s32 @!p1 $0x4  }
0xa6: {  	_ =	swait.ge @!p1 [sflag:s2], $0x100  }
0xa7: {  	[sflag:s2] =	ssyncset.done @!p1 $0x0  }
0xa8: {  	s16 =	simm.s32 @!p1 $0x400;
	[sflag:s2] =	ssyncadd.s32 @!p1 $0xFFFFFF00;
	s2 =	simm.s32 @!p1 $0x80  }
0xa9: {  	[tilespmem:s16], [sflag:$0x2] =	stream.indirect.gather @!p1 [hbm4b:s4+s2], $0x80, s15, s2, $0xb8;
	[tilespmem:$0x1C500] =	vst v63  }
0xaa: {  	s15 =	simm.s32 @!p1 $0x2  }
0xab: {  	_ =	swait.ge @!p1 [sflag:s15], $0x4000  }
0xac: {  	[sflag:s15] =	ssyncset.done @!p1 $0x0  }
0xad: {  	[sflag:s15] =	ssyncadd.s32 @!p1 $0xFFFFC000;
	s15 =	simm.s32 @!p1 $0x8480  }
0xae: {  	[spmem:s1] =	stream.indirect.scatter.add.f32 @!p1 [tilespmem:s16], [sflag:$0x3], $0x80, s15, s2, $0xb8;
	[tilespmem:$0x1C500] =	vst v63  }
0xaf: {  	s2 =	simm.s32 @!p1 $0x3  }
0xb0: {  	_ =	swait.ge @!p1 [sflag:s2], $0x4000  }
0xb1: {  	s12 =	sadd.s32 $0x1, s12;
	[sflag:s2] =	ssyncset.done @!p1 $0x0  }
0xb2: {  	p2 =	sne.s32 s12, s20;
	[sflag:s2] =	ssyncadd.s32 @!p1 $0xFFFFC000  }
.Ltmp4:
0xb3: {  	s31 =	sor.u32 $0x1C04, s13;
	[bflag:$0x0] =	sbarrier.arrive $0xFFFF;
	(pc) =	sbr.rel @p2 .LBB2_1-.Ltmp4, $4  }
0xb4: {  	[hbm:s19], [sflag:s31] =	dma.local [spmem:s14], $0x2800  }
0xb5: {  	_ =	swait.ge [sflag:s11], $0x2800  }
0xb6: {  	[sflag:s11] =	ssyncset.done $0x0  }
0xb7: {  	[sflag:s11] =	ssyncadd.s32 $0xFFFFD800  }
0xb8: {  	_ =	sfence.sel $0x180000  }
0xb9: {  	[bflag:$0x0] =	sbarrier.arrive $0xFFFF  }
0xba: {  	_ =	strace $0x9000004A  }
0xbb: {  	s0 =	stileid.u32;
	[bflag:$0x2] =	sbarrier.arrive $0xFFFF  }
0xbc: {  	p0 =	sne.s32 s0, $0x0;
	s0 =	rddreg [dreg:$0x3]  }
0xbd: {  	s0 =	sadd.s32 @!p0 $0x100000, s0  }
0xbe: {  	[sflag:s0] =	ssyncadd.tile.s32 @!p0 $0x1;
	_ =	shalt  }
.Lfunc_end2:
_tile_overlayer_lowered:
.L_overlay_start_2:
0xbf: {  	(tag) =	ssettag $0x2  }
0xc0: {  	s0 =	rddreg [dreg:$0x0];
	s2 =	stileid.u32  }
0xc1: {  	s1 =	rddreg [dreg:$0x1];
	p0 =	sne.s32 s2, $0x0  }
0xc2: {  	s3 =	rddreg [dreg:$0x2];
	[bflag:$0x3] =	sbarrier.arrive $0xFFFF;
	s2 =	simm.s32 @!p0 $0x1C04  }
0xc3: {  	[timem:s3], [sflag:s2] =	dma.local @!p0 [hbm:s0], s1  }
0xc4: {  	s0 =	simm.s32 @!p0 $0x4  }
0xc5: {  	_ =	swait.ge @!p0 [sflag:s0], s1  }
0xc6: {  	s1 =	ssub.s32 @!p0 $0x0, s1;
	[sflag:s0] =	ssyncset.done @!p0 $0x0  }
0xc7: {  	[sflag:s0] =	ssyncadd.s32 @!p0 s1  }
0xc8: {  	[bflag:$0x3] =	sbarrier.arrive $0xFFFF  }
0xc9: {  	_ =	shalt  }

</sc_bundles>
